<compile_context>
chip_gen: v7x
topology: tpu7x:2x2x1
jax: 0.10.2.dev20260603
libtpu: 0.0.44.dev20260713+nightly
codegen_flags: <defaults>
</compile_context>

<pallas_src>
import functools

import jax
import jax.numpy as jnp
from jax import lax
from jax.experimental import pallas as pl
from jax.experimental.pallas import tpu as pltpu
from jax.experimental.pallas import tpu_sc as plsc

V, D = 10000, 128
E = 320000
NC, NS, L = 2, 16, 16
NR = 8
NPAIR = 8
EPC = E // NC
EPG = EPC // 2
CK = 2000
NCK = NR
S = CK * NCK
NSUP = EPG // S
NCKT = NSUP * NCK
NG = CK // L
SP = 2048
NWV = 4


def _decode(tab_p, xy):
    mesh = plsc.VectorSubcoreMesh(core_axis_name="c", subcore_axis_name="s")

    @functools.partial(
        pl.kernel,
        out_type=jax.ShapeDtypeStruct((E,), jnp.float32),
        mesh=mesh,
        scratch_types=[
            pltpu.VMEM((NPAIR * V,), jnp.int32),
            pltpu.VMEM((CK,), jnp.int32),
            pltpu.VMEM((CK,), jnp.int32),
            pltpu.VMEM((SP,), jnp.float32),
            pltpu.VMEM((SP,), jnp.float32),
            pltpu.VMEM((SP,), jnp.float32),
            pltpu.VMEM((SP,), jnp.float32),
            pltpu.VMEM((CK,), jnp.float32),
            pltpu.VMEM_SHARED((NS, NR, SP), jnp.float32),
            pltpu.SemaphoreType.DMA,
            pltpu.SemaphoreType.DMA,
            pltpu.SemaphoreType.DMA,
            pltpu.SemaphoreType.DMA,
        ],
        compiler_params=pltpu.CompilerParams(needs_layout_passes=False),
    )
    def k(tab_h, xy_h, out_h, shard, xyc0, xyc1, pb0, pb1,
          rb0, rb1, outb, stage, sem_in, sem_st, sem_rd, sem_rd2):
        score = lax.axis_index("c")
        sid = lax.axis_index("s")
        gi = sid // NR
        ri = sid % NR
        ebase = pl.multiple_of(score * EPC + gi * EPG, 8)
        rbs = (rb0, rb1)

        pltpu.sync_copy(tab_h.at[pl.ds(ri * (NPAIR * V), NPAIR * V)], shard)

        pltpu.async_copy(xy_h.at[pl.ds(ebase, CK)], xyc0, sem_in)

        def phase1_chunk(xyc_cur, xyc_nxt, pb_cur, ch, ci):
            pltpu.make_async_copy(
                xy_h.at[pl.ds(ebase, CK)], xyc_cur, sem_in).wait()

            @pl.when(ci + 1 < NCKT)
            def _():
                nbase = ebase + (ci + 1) * CK
                pltpu.async_copy(xy_h.at[pl.ds(nbase, CK)], xyc_nxt, sem_in)

            @pl.when(ch >= 2)
            def _():
                pltpu.make_async_copy(
                    pb_cur, stage.at[sid].at[0], sem_st).wait()

            def group_body(g, carry):
                w = xyc_cur[pl.ds(g * L, L)]
                xa = w & 0xFFFF
                ya = lax.shift_right_logical(w, 16)
                acc = []
                for p in range(NPAIR):
                    xw = plsc.load_gather(shard, [xa + (p * V)])
                    yw = plsc.load_gather(shard, [ya + (p * V)])
                    prod = (plsc.bitcast(xw, jnp.bfloat16)
                            * plsc.bitcast(yw, jnp.bfloat16))
                    p0, p1 = plsc.unpack(
                        prod, format=plsc.PackFormat.INTERLEAVED)
                    acc.append(p0 + p1)
                a01 = (acc[0] + acc[1]) + (acc[2] + acc[3])
                a23 = (acc[4] + acc[5]) + (acc[6] + acc[7])
                pb_cur[pl.ds(g * L, L)] = a01 + a23
                return carry

            lax.fori_loop(0, NG, group_body, 0)

            pltpu.async_copy(pb_cur, stage.at[sid].at[ch], sem_st)

        def sup_body(s, carry):
            sbase = ebase + s * S

            def chunk_body(ch, carry):
                ci = s * NCK + ch

                @pl.when((ch & 1) == 0)
                def _():
                    phase1_chunk(xyc0, xyc1, pb0, ch, ci)

                @pl.when((ch & 1) == 1)
                def _():
                    phase1_chunk(xyc1, xyc0, pb1, ch, ci)

                return carry

            lax.fori_loop(0, NCK, chunk_body, 0)

            pltpu.make_async_copy(pb0, stage.at[sid].at[0], sem_st).wait()
            pltpu.make_async_copy(pb1, stage.at[sid].at[0], sem_st).wait()
            plsc.subcore_barrier()

            wbs = ((rb0, rb1), (pb0, pb1))
            sems = (sem_rd, sem_rd2)

            def fire(w):
                for i in range(NR // NWV):
                    pltpu.async_copy(
                        stage.at[gi * NR + w * (NR // NWV) + i].at[ri],
                        wbs[w & 1][i], sems[w & 1])

            fire(0)
            fire(1)
            for w in range(NWV):
                for i in range(NR // NWV):
                    pltpu.make_async_copy(
                        stage.at[0].at[0], wbs[w & 1][i],
                        sems[w & 1]).wait()

                def red_body(g, carry):
                    o = g * L
                    a = wbs[w & 1][0][pl.ds(o, L)]
                    for i in range(1, NR // NWV):
                        a = a + wbs[w & 1][i][pl.ds(o, L)]
                    if w > 0:
                        a = a + outb[pl.ds(o, L)]
                    outb[pl.ds(o, L)] = a
                    return carry

                lax.fori_loop(0, NG, red_body, 0)
                if w + 2 < NWV:
                    fire(w + 2)

            def sig_body(g, carry):
                o = g * L
                a = outb[pl.ds(o, L)]
                outb[pl.ds(o, L)] = 1.0 / (1.0 + jnp.exp(-a))
                return carry

            lax.fori_loop(0, NG, sig_body, 0)
            goff = pl.multiple_of(sbase + ri * CK, 8)
            pltpu.sync_copy(outb, out_h.at[pl.ds(goff, CK)])

            plsc.subcore_barrier()
            return carry

        lax.fori_loop(0, NSUP, sup_body, 0)

    return k(tab_p, xy)


def kernel(inputs, x_idx, y_idx):
    bf = inputs.astype(jnp.bfloat16).reshape(V, NR, NPAIR, 2)
    packed = jax.lax.bitcast_convert_type(bf, jnp.int32)
    tab_p = jnp.transpose(packed, (1, 2, 0)).reshape(NR * NPAIR * V)
    xy = x_idx.astype(jnp.int32) | (y_idx.astype(jnp.int32) << 16)
    return _decode(tab_p, xy)

# --- scband reference (transcript-rebuilt; emitter-appended) ---
"""Pipeline reference for scband-inner-product-decoder-53008486367987 (READ-ONLY COPY).

The authoritative reference and input builder live on the scoring server;
editing this copy changes nothing except your own understanding.
"""

import jax, jax.numpy as jnp
import numpy as np


def setup_inputs(seed: int = 0) -> dict:
    key = jax.random.key(seed)
    k1, k2, k3 = jax.random.split(key, 3)
    inputs = jax.random.normal(k1, (10000, 128), dtype=jnp.float32)
    x_idx = jax.random.randint(k2, (320000,), 0, 10000, dtype=jnp.int64 if jax.config.jax_enable_x64 else jnp.int32)
    y_idx = jax.random.randint(k3, (320000,), 0, 10000, dtype=jnp.int64 if jax.config.jax_enable_x64 else jnp.int32)
    return {"inputs": inputs, "x_idx": x_idx, "y_idx": y_idx}


def reference(inputs, x_idx, y_idx):
    # gather rows (embedding lookup)
    x = jnp.take(inputs, x_idx, axis=0)
    y = jnp.take(inputs, y_idx, axis=0)
    prod = jnp.sum(x * y, axis=1)
    return jax.nn.sigmoid(prod)

if __name__ == "__main__":
    import jax
    _d = setup_inputs()
    print(jax.jit(kernel)(*tuple(_d.values())))

</pallas_src>

<mosaic_0001>
#map = affine_map<(d0, d1) -> (0)>
module attributes {stable_mosaic.version = 14 : i64} {
  func.func @k(%arg0: i32, %arg1: i32, %arg2: memref<640000xi32, #tpu.memory_space<hbm>>, %arg3: memref<320000xi32, #tpu.memory_space<hbm>>, %arg4: memref<320000xf32, #tpu.memory_space<hbm>>, %arg5: memref<80000xi32, #tpu.memory_space<vmem>>, %arg6: memref<2000xi32, #tpu.memory_space<vmem>>, %arg7: memref<2000xi32, #tpu.memory_space<vmem>>, %arg8: memref<2048xf32, #tpu.memory_space<vmem>>, %arg9: memref<2048xf32, #tpu.memory_space<vmem>>, %arg10: memref<2048xf32, #tpu.memory_space<vmem>>, %arg11: memref<2048xf32, #tpu.memory_space<vmem>>, %arg12: memref<2000xf32, #tpu.memory_space<vmem>>, %arg13: memref<16x8x2048xf32, #tpu.memory_space<vmem_shared>>, %arg14: memref<!tpu.dma_semaphore, #tpu.memory_space<semaphore_mem>>, %arg15: memref<!tpu.dma_semaphore, #tpu.memory_space<semaphore_mem>>, %arg16: memref<!tpu.dma_semaphore, #tpu.memory_space<semaphore_mem>>, %arg17: memref<!tpu.dma_semaphore, #tpu.memory_space<semaphore_mem>>) attributes {dimension_semantics = [#tpu.dimension_semantics<core_parallel>, #tpu.dimension_semantics<subcore_parallel>], iteration_bounds = array<i64: 2, 16>, scalar_prefetch = 0 : i64, scratch_operands = 13 : i64, tpu.core_type = #tpu.core_type<sc_vector_subcore>, window_params = [{transform_indices = #map}, {transform_indices = #map}, {transform_indices = #map}]} {
    %jit3A = arith.constant 8 : i32
    %div3A = arith.divsi %arg1, %jit3A : i32
    %sign3A = arith.constant 0 : i32
    %sign3A_0 = arith.cmpi sgt, %arg1, %sign3A : i32
    %sign3A_1 = arith.extui %sign3A_0 : i1 to i32
    %sign3A_2 = arith.constant 0 : i32
    %sign3A_3 = arith.cmpi slt, %arg1, %sign3A_2 : i32
    %sign3A_4 = arith.extui %sign3A_3 : i1 to i32
    %sign3A_5 = arith.subi %sign3A_1, %sign3A_4 : i32
    %sign3A_6 = arith.constant 0 : i32
    %sign3A_7 = arith.cmpi sgt, %jit3A, %sign3A_6 : i32
    %sign3A_8 = arith.extui %sign3A_7 : i1 to i32
    %sign3A_9 = arith.constant 0 : i32
    %sign3A_10 = arith.cmpi slt, %jit3A, %sign3A_9 : i32
    %sign3A_11 = arith.extui %sign3A_10 : i1 to i32
    %sign3A_12 = arith.subi %sign3A_8, %sign3A_11 : i32
    %ne3A = arith.cmpi ne, %sign3A_5, %sign3A_12 : i32
    %rem3A = arith.remsi %arg1, %jit3A : i32
    %ne3A_13 = arith.constant 0 : i32
    %ne3A_14 = arith.cmpi ne, %rem3A, %ne3A_13 : i32
    %and3A = arith.andi %ne3A, %ne3A_14 : i1
    %sub3A = arith.constant 1 : i32
    %sub3A_15 = arith.subi %div3A, %sub3A : i32
    %select_n3A = arith.select %and3A, %sub3A_15, %div3A : i32
    %jit3A_16 = arith.constant 8 : i32
    %eq3A = arith.constant 0 : i32
    %eq3A_17 = arith.cmpi eq, %jit3A_16, %eq3A : i32
    %jit3A_18 = arith.constant 1 : i32
    %select_n3A_19 = arith.select %eq3A_17, %jit3A_18, %jit3A_16 : i32
    %rem3A_20 = arith.remsi %arg1, %select_n3A_19 : i32
    %ne3A_21 = arith.constant 0 : i32
    %ne3A_22 = arith.cmpi ne, %rem3A_20, %ne3A_21 : i32
    %lt3A = arith.constant 0 : i32
    %lt3A_23 = arith.cmpi slt, %rem3A_20, %lt3A : i32
    %lt3A_24 = arith.constant 0 : i32
    %lt3A_25 = arith.cmpi slt, %select_n3A_19, %lt3A_24 : i32
    %ne3A_26 = arith.xori %lt3A_23, %lt3A_25 : i1
    %and3A_27 = arith.andi %ne3A_26, %ne3A_22 : i1
    %add3A = arith.addi %rem3A_20, %select_n3A_19 : i32
    %select_n3A_28 = arith.select %and3A_27, %add3A, %rem3A_20 : i32
    %mul3A = arith.constant 160000 : i32
    %mul3A_29 = arith.muli %arg0, %mul3A : i32
    %mul3A_30 = arith.constant 80000 : i32
    %mul3A_31 = arith.muli %select_n3A, %mul3A_30 : i32
    %add3A_32 = arith.addi %mul3A_29, %mul3A_31 : i32
    %multiple_of3A = tpu.assume_multiple %add3A_32, 8 : i32
    %mul3A_33 = arith.constant 80000 : i32
    %mul3A_34 = arith.muli %select_n3A_28, %mul3A_33 : i32
    "tpu.region"() ({
      %run_scoped3A = tpu.sem_alloc : memref<!tpu.dma_semaphore, #tpu.memory_space<semaphore_mem>>
      %dma_start3A_41 = tpu.memref_slice %arg2[%mul3A_34] : memref<640000xi32, #tpu.memory_space<hbm>> -> memref<80000xi32, #tpu.memory_space<hbm>>
      %dma_start3A_42 = tpu.memref_slice %arg2[%mul3A_34] : memref<640000xi32, #tpu.memory_space<hbm>> -> memref<80000xi32, #tpu.memory_space<hbm>>
      tpu.enqueue_dma source(%dma_start3A_42 : memref<80000xi32, #tpu.memory_space<hbm>>) target(%arg5 : memref<80000xi32, #tpu.memory_space<vmem>>) target_semaphore(%run_scoped3A : memref<!tpu.dma_semaphore, #tpu.memory_space<semaphore_mem>>)
      %dma_wait3A = tpu.memref_slice %arg2[%mul3A_34] : memref<640000xi32, #tpu.memory_space<hbm>> -> memref<80000xi32, #tpu.memory_space<hbm>>
      %dma_wait3A_43 = tpu.memref_slice %arg2[%mul3A_34] : memref<640000xi32, #tpu.memory_space<hbm>> -> memref<80000xi32, #tpu.memory_space<hbm>>
      tpu.wait_dma2 semaphore(%run_scoped3A : memref<!tpu.dma_semaphore, #tpu.memory_space<semaphore_mem>>) src(%dma_wait3A_43 : memref<80000xi32, #tpu.memory_space<hbm>>) dst(%arg5 : memref<80000xi32, #tpu.memory_space<vmem>>)
      tpu.yield
    }) : () -> ()
    %dma_start3A = tpu.memref_slice %arg3[%multiple_of3A] : memref<320000xi32, #tpu.memory_space<hbm>> -> memref<2000xi32, #tpu.memory_space<hbm>>
    %dma_start3A_35 = tpu.memref_slice %arg3[%multiple_of3A] : memref<320000xi32, #tpu.memory_space<hbm>> -> memref<2000xi32, #tpu.memory_space<hbm>>
    tpu.enqueue_dma source(%dma_start3A_35 : memref<2000xi32, #tpu.memory_space<hbm>>) target(%arg6 : memref<2000xi32, #tpu.memory_space<vmem>>) target_semaphore(%arg14 : memref<!tpu.dma_semaphore, #tpu.memory_space<semaphore_mem>>)
    %scan3A = arith.constant 0 : i32
    %scan3A_36 = arith.constant 0 : i32
    %scan3A_37 = arith.constant 5 : i32
    %scan3A_38 = arith.addi %scan3A_36, %scan3A_37 : i32
    %scan3A_39 = arith.constant 1 : i32
    scf.for %scan3A_41 = %scan3A_36 to %scan3A_38 step %scan3A_39  : i32 {
      %mul3A_42 = arith.constant 16000 : i32
      %mul3A_43 = arith.muli %scan3A_41, %mul3A_42 : i32
      %add3A_44 = arith.addi %multiple_of3A, %mul3A_43 : i32
      %scan3A_45 = arith.constant 0 : i32
      %scan3A_46 = arith.constant 0 : i32
      %scan3A_47 = arith.constant 8 : i32
      %scan3A_48 = arith.addi %scan3A_46, %scan3A_47 : i32
      %scan3A_49 = arith.constant 1 : i32
      scf.for %scan3A_403 = %scan3A_46 to %scan3A_48 step %scan3A_49  : i32 {
        %mul3A_404 = arith.constant 8 : i32
        %mul3A_405 = arith.muli %scan3A_41, %mul3A_404 : i32
        %add3A_406 = arith.addi %mul3A_405, %scan3A_403 : i32
        %and3A_407 = arith.constant 1 : i32
        %and3A_408 = arith.andi %scan3A_403, %and3A_407 : i32
        %eq3A_409 = arith.constant 0 : i32
        %eq3A_410 = arith.cmpi eq, %and3A_408, %eq3A_409 : i32
        %convert_element_type3A = arith.extui %eq3A_410 : i1 to i32
        %cond3A = arith.constant 0 : i32
        %cond3A_411 = arith.cmpi ne, %convert_element_type3A, %cond3A : i32
        scf.if %cond3A_411 {
          %dma_wait3A_419 = tpu.memref_slice %arg3[%multiple_of3A] : memref<320000xi32, #tpu.memory_space<hbm>> -> memref<2000xi32, #tpu.memory_space<hbm>>
          %dma_wait3A_420 = tpu.memref_slice %arg3[%multiple_of3A] : memref<320000xi32, #tpu.memory_space<hbm>> -> memref<2000xi32, #tpu.memory_space<hbm>>
          tpu.wait_dma2 semaphore(%arg14 : memref<!tpu.dma_semaphore, #tpu.memory_space<semaphore_mem>>) src(%dma_wait3A_420 : memref<2000xi32, #tpu.memory_space<hbm>>) dst(%arg6 : memref<2000xi32, #tpu.memory_space<vmem>>)
          %add3A_421 = arith.constant 1 : i32
          %add3A_422 = arith.addi %add3A_406, %add3A_421 : i32
          %lt3A_423 = arith.constant 40 : i32
          %lt3A_424 = arith.cmpi slt, %add3A_422, %lt3A_423 : i32
          %convert_element_type3A_425 = arith.extui %lt3A_424 : i1 to i32
          %cond3A_426 = arith.constant 0 : i32
          %cond3A_427 = arith.cmpi ne, %convert_element_type3A_425, %cond3A_426 : i32
          scf.if %cond3A_427 {
            %add3A_452 = arith.constant 1 : i32
            %add3A_453 = arith.addi %add3A_406, %add3A_452 : i32
            %mul3A_454 = arith.constant 2000 : i32
            %mul3A_455 = arith.muli %add3A_453, %mul3A_454 : i32
            %add3A_456 = arith.addi %multiple_of3A, %mul3A_455 : i32
            %dma_start3A_457 = tpu.memref_slice %arg3[%add3A_456] : memref<320000xi32, #tpu.memory_space<hbm>> -> memref<2000xi32, #tpu.memory_space<hbm>>
            %dma_start3A_458 = tpu.memref_slice %arg3[%add3A_456] : memref<320000xi32, #tpu.memory_space<hbm>> -> memref<2000xi32, #tpu.memory_space<hbm>>
            tpu.enqueue_dma source(%dma_start3A_458 : memref<2000xi32, #tpu.memory_space<hbm>>) target(%arg7 : memref<2000xi32, #tpu.memory_space<vmem>>) target_semaphore(%arg14 : memref<!tpu.dma_semaphore, #tpu.memory_space<semaphore_mem>>)
          } else {
          }
          %ge3A = arith.constant 2 : i32
          %ge3A_428 = arith.cmpi sge, %scan3A_403, %ge3A : i32
          %convert_element_type3A_429 = arith.extui %ge3A_428 : i1 to i32
          %cond3A_430 = arith.constant 0 : i32
          %cond3A_431 = arith.cmpi ne, %convert_element_type3A_429, %cond3A_430 : i32
          scf.if %cond3A_431 {
            %dma_wait3A_452 = arith.constant 0 : i32
            %dma_wait3A_453 = arith.constant 0 : i32
            %dma_wait3A_454 = arith.constant 0 : i32
            %dma_wait3A_455 = tpu.memref_slice %arg13[%arg1, %dma_wait3A_453, %dma_wait3A_454] : memref<16x8x2048xf32, #tpu.memory_space<vmem_shared>> -> memref<1x8x2048xf32, #tpu.memory_space<vmem_shared>>
            %dma_wait3A_456 = tpu.memref_squeeze %dma_wait3A_455 : memref<1x8x2048xf32, #tpu.memory_space<vmem_shared>> -> memref<8x2048xf32, #tpu.memory_space<vmem_shared>>
            %dma_wait3A_457 = arith.constant 0 : i32
            %dma_wait3A_458 = tpu.memref_slice %dma_wait3A_456[%dma_wait3A_452, %dma_wait3A_457] : memref<8x2048xf32, #tpu.memory_space<vmem_shared>> -> memref<1x2048xf32, #tpu.memory_space<vmem_shared>>
            %dma_wait3A_459 = tpu.memref_squeeze %dma_wait3A_458 : memref<1x2048xf32, #tpu.memory_space<vmem_shared>> -> memref<2048xf32, #tpu.memory_space<vmem_shared>>
            %dma_wait3A_460 = arith.constant 0 : i32
            %dma_wait3A_461 = arith.constant 0 : i32
            %dma_wait3A_462 = tpu.memref_slice %arg13[%arg1, %dma_wait3A_460, %dma_wait3A_461] : memref<16x8x2048xf32, #tpu.memory_space<vmem_shared>> -> memref<1x8x2048xf32, #tpu.memory_space<vmem_shared>>
            %dma_wait3A_463 = tpu.memref_squeeze %dma_wait3A_462 : memref<1x8x2048xf32, #tpu.memory_space<vmem_shared>> -> memref<8x2048xf32, #tpu.memory_space<vmem_shared>>
            %dma_wait3A_464 = arith.constant 0 : i32
            %dma_wait3A_465 = tpu.memref_slice %dma_wait3A_463[%dma_wait3A_452, %dma_wait3A_464] : memref<8x2048xf32, #tpu.memory_space<vmem_shared>> -> memref<1x2048xf32, #tpu.memory_space<vmem_shared>>
            %dma_wait3A_466 = tpu.memref_squeeze %dma_wait3A_465 : memref<1x2048xf32, #tpu.memory_space<vmem_shared>> -> memref<2048xf32, #tpu.memory_space<vmem_shared>>
            tpu.wait_dma2 semaphore(%arg15 : memref<!tpu.dma_semaphore, #tpu.memory_space<semaphore_mem>>) src(%arg8 : memref<2048xf32, #tpu.memory_space<vmem>>) dst(%dma_wait3A_466 : memref<2048xf32, #tpu.memory_space<vmem_shared>>)
          } else {
          }
          %scan3A_432 = arith.constant 0 : i32
          %scan3A_433 = arith.constant 0 : i32
          %scan3A_434 = arith.constant 125 : i32
          %scan3A_435 = arith.addi %scan3A_433, %scan3A_434 : i32
          %scan3A_436 = arith.constant 1 : i32
          scf.for %scan3A_452 = %scan3A_433 to %scan3A_435 step %scan3A_436  : i32 {
            %mul3A_453 = arith.constant 16 : i32
            %mul3A_454 = arith.muli %scan3A_452, %mul3A_453 : i32
            %get3A = arith.index_cast %mul3A_454 : i32 to index
            %get3A_455 = tpu.vector_load %arg6[%get3A] {strides = array<i32>} : memref<2000xi32, #tpu.memory_space<vmem>>, vector<16xi32>,
            %and3A_456 = arith.constant 65535 : i32
            %and3A_457 = vector.broadcast %and3A_456 : i32 to vector<16xi32>
            %and3A_458 = arith.andi %get3A_455, %and3A_457 : vector<16xi32>
            %shift_right_logical3A = arith.constant 16 : i32
            %shift_right_logical3A_459 = vector.broadcast %shift_right_logical3A : i32 to vector<16xi32>
            %shift_right_logical3A_460 = arith.shrui %get3A_455, %shift_right_logical3A_459 : vector<16xi32>
            %add3A_461 = arith.constant 0 : i32
            %add3A_462 = vector.broadcast %add3A_461 : i32 to vector<16xi32>
            %add3A_463 = arith.addi %and3A_458, %add3A_462 : vector<16xi32>
            %gather3A = tpu.vector_load_idx %arg5[%add3A_463] : memref<80000xi32, #tpu.memory_space<vmem>>[vector<16xi32>], vector<16xi32>,
            %add3A_464 = arith.constant 0 : i32
            %add3A_465 = vector.broadcast %add3A_464 : i32 to vector<16xi32>
            %add3A_466 = arith.addi %shift_right_logical3A_460, %add3A_465 : vector<16xi32>
            %gather3A_467 = tpu.vector_load_idx %arg5[%add3A_466] : memref<80000xi32, #tpu.memory_space<vmem>>[vector<16xi32>], vector<16xi32>,
            %bitcast3A = vector.bitcast %gather3A : vector<16xi32> to vector<32xbf16>
            %bitcast3A_468 = vector.bitcast %gather3A_467 : vector<16xi32> to vector<32xbf16>
            %mul3A_469 = arith.mulf %bitcast3A, %bitcast3A_468 : vector<32xbf16>
            %unpack3A = tpu.unpack_subelements %mul3A_469, 0 {pack_format = #tpu.pack_format<interleaved>} : vector<32xbf16> -> vector<16xf32>
            %unpack3A_470 = tpu.unpack_subelements %mul3A_469, 1 {pack_format = #tpu.pack_format<interleaved>} : vector<32xbf16> -> vector<16xf32>
            %add3A_471 = arith.addf %unpack3A, %unpack3A_470 : vector<16xf32>
            %add3A_472 = arith.constant 10000 : i32
            %add3A_473 = vector.broadcast %add3A_472 : i32 to vector<16xi32>
            %add3A_474 = arith.addi %and3A_458, %add3A_473 : vector<16xi32>
            %gather3A_475 = tpu.vector_load_idx %arg5[%add3A_474] : memref<80000xi32, #tpu.memory_space<vmem>>[vector<16xi32>], vector<16xi32>,
            %add3A_476 = arith.constant 10000 : i32
            %add3A_477 = vector.broadcast %add3A_476 : i32 to vector<16xi32>
            %add3A_478 = arith.addi %shift_right_logical3A_460, %add3A_477 : vector<16xi32>
            %gather3A_479 = tpu.vector_load_idx %arg5[%add3A_478] : memref<80000xi32, #tpu.memory_space<vmem>>[vector<16xi32>], vector<16xi32>,
            %bitcast3A_480 = vector.bitcast %gather3A_475 : vector<16xi32> to vector<32xbf16>
            %bitcast3A_481 = vector.bitcast %gather3A_479 : vector<16xi32> to vector<32xbf16>
            %mul3A_482 = arith.mulf %bitcast3A_480, %bitcast3A_481 : vector<32xbf16>
            %unpack3A_483 = tpu.unpack_subelements %mul3A_482, 0 {pack_format = #tpu.pack_format<interleaved>} : vector<32xbf16> -> vector<16xf32>
            %unpack3A_484 = tpu.unpack_subelements %mul3A_482, 1 {pack_format = #tpu.pack_format<interleaved>} : vector<32xbf16> -> vector<16xf32>
            %add3A_485 = arith.addf %unpack3A_483, %unpack3A_484 : vector<16xf32>
            %add3A_486 = arith.constant 20000 : i32
            %add3A_487 = vector.broadcast %add3A_486 : i32 to vector<16xi32>
            %add3A_488 = arith.addi %and3A_458, %add3A_487 : vector<16xi32>
            %gather3A_489 = tpu.vector_load_idx %arg5[%add3A_488] : memref<80000xi32, #tpu.memory_space<vmem>>[vector<16xi32>], vector<16xi32>,
            %add3A_490 = arith.constant 20000 : i32
            %add3A_491 = vector.broadcast %add3A_490 : i32 to vector<16xi32>
            %add3A_492 = arith.addi %shift_right_logical3A_460, %add3A_491 : vector<16xi32>
            %gather3A_493 = tpu.vector_load_idx %arg5[%add3A_492] : memref<80000xi32, #tpu.memory_space<vmem>>[vector<16xi32>], vector<16xi32>,
            %bitcast3A_494 = vector.bitcast %gather3A_489 : vector<16xi32> to vector<32xbf16>
            %bitcast3A_495 = vector.bitcast %gather3A_493 : vector<16xi32> to vector<32xbf16>
            %mul3A_496 = arith.mulf %bitcast3A_494, %bitcast3A_495 : vector<32xbf16>
            %unpack3A_497 = tpu.unpack_subelements %mul3A_496, 0 {pack_format = #tpu.pack_format<interleaved>} : vector<32xbf16> -> vector<16xf32>
            %unpack3A_498 = tpu.unpack_subelements %mul3A_496, 1 {pack_format = #tpu.pack_format<interleaved>} : vector<32xbf16> -> vector<16xf32>
            %add3A_499 = arith.addf %unpack3A_497, %unpack3A_498 : vector<16xf32>
            %add3A_500 = arith.constant 30000 : i32
            %add3A_501 = vector.broadcast %add3A_500 : i32 to vector<16xi32>
            %add3A_502 = arith.addi %and3A_458, %add3A_501 : vector<16xi32>
            %gather3A_503 = tpu.vector_load_idx %arg5[%add3A_502] : memref<80000xi32, #tpu.memory_space<vmem>>[vector<16xi32>], vector<16xi32>,
            %add3A_504 = arith.constant 30000 : i32
            %add3A_505 = vector.broadcast %add3A_504 : i32 to vector<16xi32>
            %add3A_506 = arith.addi %shift_right_logical3A_460, %add3A_505 : vector<16xi32>
            %gather3A_507 = tpu.vector_load_idx %arg5[%add3A_506] : memref<80000xi32, #tpu.memory_space<vmem>>[vector<16xi32>], vector<16xi32>,
            %bitcast3A_508 = vector.bitcast %gather3A_503 : vector<16xi32> to vector<32xbf16>
            %bitcast3A_509 = vector.bitcast %gather3A_507 : vector<16xi32> to vector<32xbf16>
            %mul3A_510 = arith.mulf %bitcast3A_508, %bitcast3A_509 : vector<32xbf16>
            %unpack3A_511 = tpu.unpack_subelements %mul3A_510, 0 {pack_format = #tpu.pack_format<interleaved>} : vector<32xbf16> -> vector<16xf32>
            %unpack3A_512 = tpu.unpack_subelements %mul3A_510, 1 {pack_format = #tpu.pack_format<interleaved>} : vector<32xbf16> -> vector<16xf32>
            %add3A_513 = arith.addf %unpack3A_511, %unpack3A_512 : vector<16xf32>
            %add3A_514 = arith.constant 40000 : i32
            %add3A_515 = vector.broadcast %add3A_514 : i32 to vector<16xi32>
            %add3A_516 = arith.addi %and3A_458, %add3A_515 : vector<16xi32>
            %gather3A_517 = tpu.vector_load_idx %arg5[%add3A_516] : memref<80000xi32, #tpu.memory_space<vmem>>[vector<16xi32>], vector<16xi32>,
            %add3A_518 = arith.constant 40000 : i32
            %add3A_519 = vector.broadcast %add3A_518 : i32 to vector<16xi32>
            %add3A_520 = arith.addi %shift_right_logical3A_460, %add3A_519 : vector<16xi32>
            %gather3A_521 = tpu.vector_load_idx %arg5[%add3A_520] : memref<80000xi32, #tpu.memory_space<vmem>>[vector<16xi32>], vector<16xi32>,
            %bitcast3A_522 = vector.bitcast %gather3A_517 : vector<16xi32> to vector<32xbf16>
            %bitcast3A_523 = vector.bitcast %gather3A_521 : vector<16xi32> to vector<32xbf16>
            %mul3A_524 = arith.mulf %bitcast3A_522, %bitcast3A_523 : vector<32xbf16>
            %unpack3A_525 = tpu.unpack_subelements %mul3A_524, 0 {pack_format = #tpu.pack_format<interleaved>} : vector<32xbf16> -> vector<16xf32>
            %unpack3A_526 = tpu.unpack_subelements %mul3A_524, 1 {pack_format = #tpu.pack_format<interleaved>} : vector<32xbf16> -> vector<16xf32>
            %add3A_527 = arith.addf %unpack3A_525, %unpack3A_526 : vector<16xf32>
            %add3A_528 = arith.constant 50000 : i32
            %add3A_529 = vector.broadcast %add3A_528 : i32 to vector<16xi32>
            %add3A_530 = arith.addi %and3A_458, %add3A_529 : vector<16xi32>
            %gather3A_531 = tpu.vector_load_idx %arg5[%add3A_530] : memref<80000xi32, #tpu.memory_space<vmem>>[vector<16xi32>], vector<16xi32>,
            %add3A_532 = arith.constant 50000 : i32
            %add3A_533 = vector.broadcast %add3A_532 : i32 to vector<16xi32>
            %add3A_534 = arith.addi %shift_right_logical3A_460, %add3A_533 : vector<16xi32>
            %gather3A_535 = tpu.vector_load_idx %arg5[%add3A_534] : memref<80000xi32, #tpu.memory_space<vmem>>[vector<16xi32>], vector<16xi32>,
            %bitcast3A_536 = vector.bitcast %gather3A_531 : vector<16xi32> to vector<32xbf16>
            %bitcast3A_537 = vector.bitcast %gather3A_535 : vector<16xi32> to vector<32xbf16>
            %mul3A_538 = arith.mulf %bitcast3A_536, %bitcast3A_537 : vector<32xbf16>
            %unpack3A_539 = tpu.unpack_subelements %mul3A_538, 0 {pack_format = #tpu.pack_format<interleaved>} : vector<32xbf16> -> vector<16xf32>
            %unpack3A_540 = tpu.unpack_subelements %mul3A_538, 1 {pack_format = #tpu.pack_format<interleaved>} : vector<32xbf16> -> vector<16xf32>
            %add3A_541 = arith.addf %unpack3A_539, %unpack3A_540 : vector<16xf32>
            %add3A_542 = arith.constant 60000 : i32
            %add3A_543 = vector.broadcast %add3A_542 : i32 to vector<16xi32>
            %add3A_544 = arith.addi %and3A_458, %add3A_543 : vector<16xi32>
            %gather3A_545 = tpu.vector_load_idx %arg5[%add3A_544] : memref<80000xi32, #tpu.memory_space<vmem>>[vector<16xi32>], vector<16xi32>,
            %add3A_546 = arith.constant 60000 : i32
            %add3A_547 = vector.broadcast %add3A_546 : i32 to vector<16xi32>
            %add3A_548 = arith.addi %shift_right_logical3A_460, %add3A_547 : vector<16xi32>
            %gather3A_549 = tpu.vector_load_idx %arg5[%add3A_548] : memref<80000xi32, #tpu.memory_space<vmem>>[vector<16xi32>], vector<16xi32>,
            %bitcast3A_550 = vector.bitcast %gather3A_545 : vector<16xi32> to vector<32xbf16>
            %bitcast3A_551 = vector.bitcast %gather3A_549 : vector<16xi32> to vector<32xbf16>
            %mul3A_552 = arith.mulf %bitcast3A_550, %bitcast3A_551 : vector<32xbf16>
            %unpack3A_553 = tpu.unpack_subelements %mul3A_552, 0 {pack_format = #tpu.pack_format<interleaved>} : vector<32xbf16> -> vector<16xf32>
            %unpack3A_554 = tpu.unpack_subelements %mul3A_552, 1 {pack_format = #tpu.pack_format<interleaved>} : vector<32xbf16> -> vector<16xf32>
            %add3A_555 = arith.addf %unpack3A_553, %unpack3A_554 : vector<16xf32>
            %add3A_556 = arith.constant 70000 : i32
            %add3A_557 = vector.broadcast %add3A_556 : i32 to vector<16xi32>
            %add3A_558 = arith.addi %and3A_458, %add3A_557 : vector<16xi32>
            %gather3A_559 = tpu.vector_load_idx %arg5[%add3A_558] : memref<80000xi32, #tpu.memory_space<vmem>>[vector<16xi32>], vector<16xi32>,
            %add3A_560 = arith.constant 70000 : i32
            %add3A_561 = vector.broadcast %add3A_560 : i32 to vector<16xi32>
            %add3A_562 = arith.addi %shift_right_logical3A_460, %add3A_561 : vector<16xi32>
            %gather3A_563 = tpu.vector_load_idx %arg5[%add3A_562] : memref<80000xi32, #tpu.memory_space<vmem>>[vector<16xi32>], vector<16xi32>,
            %bitcast3A_564 = vector.bitcast %gather3A_559 : vector<16xi32> to vector<32xbf16>
            %bitcast3A_565 = vector.bitcast %gather3A_563 : vector<16xi32> to vector<32xbf16>
            %mul3A_566 = arith.mulf %bitcast3A_564, %bitcast3A_565 : vector<32xbf16>
            %unpack3A_567 = tpu.unpack_subelements %mul3A_566, 0 {pack_format = #tpu.pack_format<interleaved>} : vector<32xbf16> -> vector<16xf32>
            %unpack3A_568 = tpu.unpack_subelements %mul3A_566, 1 {pack_format = #tpu.pack_format<interleaved>} : vector<32xbf16> -> vector<16xf32>
            %add3A_569 = arith.addf %unpack3A_567, %unpack3A_568 : vector<16xf32>
            %add3A_570 = arith.addf %add3A_471, %add3A_485 : vector<16xf32>
            %add3A_571 = arith.addf %add3A_499, %add3A_513 : vector<16xf32>
            %add3A_572 = arith.addf %add3A_570, %add3A_571 : vector<16xf32>
            %add3A_573 = arith.addf %add3A_527, %add3A_541 : vector<16xf32>
            %add3A_574 = arith.addf %add3A_555, %add3A_569 : vector<16xf32>
            %add3A_575 = arith.addf %add3A_573, %add3A_574 : vector<16xf32>
            %add3A_576 = arith.addf %add3A_572, %add3A_575 : vector<16xf32>
            %mul3A_577 = arith.constant 16 : i32
            %mul3A_578 = arith.muli %scan3A_452, %mul3A_577 : i32
            %swap3A = arith.index_cast %mul3A_578 : i32 to index
            %swap3A_579 = tpu.vector_load %arg8[%swap3A] {strides = array<i32>} : memref<2048xf32, #tpu.memory_space<vmem>>, vector<16xf32>,
            tpu.vector_store %arg8[%swap3A], %add3A_576 {strides = array<i32>} : memref<2048xf32, #tpu.memory_space<vmem>>, vector<16xf32>,
          }
          %scan3A_437 = arith.constant 125 : i32
          %dma_start3A_438 = arith.constant 0 : i32
          %dma_start3A_439 = arith.constant 0 : i32
          %dma_start3A_440 = tpu.memref_slice %arg13[%arg1, %dma_start3A_438, %dma_start3A_439] : memref<16x8x2048xf32, #tpu.memory_space<vmem_shared>> -> memref<1x8x2048xf32, #tpu.memory_space<vmem_shared>>
          %dma_start3A_441 = tpu.memref_squeeze %dma_start3A_440 : memref<1x8x2048xf32, #tpu.memory_space<vmem_shared>> -> memref<8x2048xf32, #tpu.memory_space<vmem_shared>>
          %dma_start3A_442 = arith.constant 0 : i32
          %dma_start3A_443 = tpu.memref_slice %dma_start3A_441[%scan3A_403, %dma_start3A_442] : memref<8x2048xf32, #tpu.memory_space<vmem_shared>> -> memref<1x2048xf32, #tpu.memory_space<vmem_shared>>
          %dma_start3A_444 = tpu.memref_squeeze %dma_start3A_443 : memref<1x2048xf32, #tpu.memory_space<vmem_shared>> -> memref<2048xf32, #tpu.memory_space<vmem_shared>>
          %dma_start3A_445 = arith.constant 0 : i32
          %dma_start3A_446 = arith.constant 0 : i32
          %dma_start3A_447 = tpu.memref_slice %arg13[%arg1, %dma_start3A_445, %dma_start3A_446] : memref<16x8x2048xf32, #tpu.memory_space<vmem_shared>> -> memref<1x8x2048xf32, #tpu.memory_space<vmem_shared>>
          %dma_start3A_448 = tpu.memref_squeeze %dma_start3A_447 : memref<1x8x2048xf32, #tpu.memory_space<vmem_shared>> -> memref<8x2048xf32, #tpu.memory_space<vmem_shared>>
          %dma_start3A_449 = arith.constant 0 : i32
          %dma_start3A_450 = tpu.memref_slice %dma_start3A_448[%scan3A_403, %dma_start3A_449] : memref<8x2048xf32, #tpu.memory_space<vmem_shared>> -> memref<1x2048xf32, #tpu.memory_space<vmem_shared>>
          %dma_start3A_451 = tpu.memref_squeeze %dma_start3A_450 : memref<1x2048xf32, #tpu.memory_space<vmem_shared>> -> memref<2048xf32, #tpu.memory_space<vmem_shared>>
          tpu.enqueue_dma source(%arg8 : memref<2048xf32, #tpu.memory_space<vmem>>) target(%dma_start3A_451 : memref<2048xf32, #tpu.memory_space<vmem_shared>>) target_semaphore(%arg15 : memref<!tpu.dma_semaphore, #tpu.memory_space<semaphore_mem>>)
        } else {
        }
        %and3A_412 = arith.constant 1 : i32
        %and3A_413 = arith.andi %scan3A_403, %and3A_412 : i32
        %eq3A_414 = arith.constant 1 : i32
        %eq3A_415 = arith.cmpi eq, %and3A_413, %eq3A_414 : i32
        %convert_element_type3A_416 = arith.extui %eq3A_415 : i1 to i32
        %cond3A_417 = arith.constant 0 : i32
        %cond3A_418 = arith.cmpi ne, %convert_element_type3A_416, %cond3A_417 : i32
        scf.if %cond3A_418 {
          %dma_wait3A_419 = tpu.memref_slice %arg3[%multiple_of3A] : memref<320000xi32, #tpu.memory_space<hbm>> -> memref<2000xi32, #tpu.memory_space<hbm>>
          %dma_wait3A_420 = tpu.memref_slice %arg3[%multiple_of3A] : memref<320000xi32, #tpu.memory_space<hbm>> -> memref<2000xi32, #tpu.memory_space<hbm>>
          tpu.wait_dma2 semaphore(%arg14 : memref<!tpu.dma_semaphore, #tpu.memory_space<semaphore_mem>>) src(%dma_wait3A_420 : memref<2000xi32, #tpu.memory_space<hbm>>) dst(%arg7 : memref<2000xi32, #tpu.memory_space<vmem>>)
          %add3A_421 = arith.constant 1 : i32
          %add3A_422 = arith.addi %add3A_406, %add3A_421 : i32
          %lt3A_423 = arith.constant 40 : i32
          %lt3A_424 = arith.cmpi slt, %add3A_422, %lt3A_423 : i32
          %convert_element_type3A_425 = arith.extui %lt3A_424 : i1 to i32
          %cond3A_426 = arith.constant 0 : i32
          %cond3A_427 = arith.cmpi ne, %convert_element_type3A_425, %cond3A_426 : i32
          scf.if %cond3A_427 {
            %add3A_452 = arith.constant 1 : i32
            %add3A_453 = arith.addi %add3A_406, %add3A_452 : i32
            %mul3A_454 = arith.constant 2000 : i32
            %mul3A_455 = arith.muli %add3A_453, %mul3A_454 : i32
            %add3A_456 = arith.addi %multiple_of3A, %mul3A_455 : i32
            %dma_start3A_457 = tpu.memref_slice %arg3[%add3A_456] : memref<320000xi32, #tpu.memory_space<hbm>> -> memref<2000xi32, #tpu.memory_space<hbm>>
            %dma_start3A_458 = tpu.memref_slice %arg3[%add3A_456] : memref<320000xi32, #tpu.memory_space<hbm>> -> memref<2000xi32, #tpu.memory_space<hbm>>
            tpu.enqueue_dma source(%dma_start3A_458 : memref<2000xi32, #tpu.memory_space<hbm>>) target(%arg6 : memref<2000xi32, #tpu.memory_space<vmem>>) target_semaphore(%arg14 : memref<!tpu.dma_semaphore, #tpu.memory_space<semaphore_mem>>)
          } else {
          }
          %ge3A = arith.constant 2 : i32
          %ge3A_428 = arith.cmpi sge, %scan3A_403, %ge3A : i32
          %convert_element_type3A_429 = arith.extui %ge3A_428 : i1 to i32
          %cond3A_430 = arith.constant 0 : i32
          %cond3A_431 = arith.cmpi ne, %convert_element_type3A_429, %cond3A_430 : i32
          scf.if %cond3A_431 {
            %dma_wait3A_452 = arith.constant 0 : i32
            %dma_wait3A_453 = arith.constant 0 : i32
            %dma_wait3A_454 = arith.constant 0 : i32
            %dma_wait3A_455 = tpu.memref_slice %arg13[%arg1, %dma_wait3A_453, %dma_wait3A_454] : memref<16x8x2048xf32, #tpu.memory_space<vmem_shared>> -> memref<1x8x2048xf32, #tpu.memory_space<vmem_shared>>
            %dma_wait3A_456 = tpu.memref_squeeze %dma_wait3A_455 : memref<1x8x2048xf32, #tpu.memory_space<vmem_shared>> -> memref<8x2048xf32, #tpu.memory_space<vmem_shared>>
            %dma_wait3A_457 = arith.constant 0 : i32
            %dma_wait3A_458 = tpu.memref_slice %dma_wait3A_456[%dma_wait3A_452, %dma_wait3A_457] : memref<8x2048xf32, #tpu.memory_space<vmem_shared>> -> memref<1x2048xf32, #tpu.memory_space<vmem_shared>>
            %dma_wait3A_459 = tpu.memref_squeeze %dma_wait3A_458 : memref<1x2048xf32, #tpu.memory_space<vmem_shared>> -> memref<2048xf32, #tpu.memory_space<vmem_shared>>
            %dma_wait3A_460 = arith.constant 0 : i32
            %dma_wait3A_461 = arith.constant 0 : i32
            %dma_wait3A_462 = tpu.memref_slice %arg13[%arg1, %dma_wait3A_460, %dma_wait3A_461] : memref<16x8x2048xf32, #tpu.memory_space<vmem_shared>> -> memref<1x8x2048xf32, #tpu.memory_space<vmem_shared>>
            %dma_wait3A_463 = tpu.memref_squeeze %dma_wait3A_462 : memref<1x8x2048xf32, #tpu.memory_space<vmem_shared>> -> memref<8x2048xf32, #tpu.memory_space<vmem_shared>>
            %dma_wait3A_464 = arith.constant 0 : i32
            %dma_wait3A_465 = tpu.memref_slice %dma_wait3A_463[%dma_wait3A_452, %dma_wait3A_464] : memref<8x2048xf32, #tpu.memory_space<vmem_shared>> -> memref<1x2048xf32, #tpu.memory_space<vmem_shared>>
            %dma_wait3A_466 = tpu.memref_squeeze %dma_wait3A_465 : memref<1x2048xf32, #tpu.memory_space<vmem_shared>> -> memref<2048xf32, #tpu.memory_space<vmem_shared>>
            tpu.wait_dma2 semaphore(%arg15 : memref<!tpu.dma_semaphore, #tpu.memory_space<semaphore_mem>>) src(%arg9 : memref<2048xf32, #tpu.memory_space<vmem>>) dst(%dma_wait3A_466 : memref<2048xf32, #tpu.memory_space<vmem_shared>>)
          } else {
          }
          %scan3A_432 = arith.constant 0 : i32
          %scan3A_433 = arith.constant 0 : i32
          %scan3A_434 = arith.constant 125 : i32
          %scan3A_435 = arith.addi %scan3A_433, %scan3A_434 : i32
          %scan3A_436 = arith.constant 1 : i32
          scf.for %scan3A_452 = %scan3A_433 to %scan3A_435 step %scan3A_436  : i32 {
            %mul3A_453 = arith.constant 16 : i32
            %mul3A_454 = arith.muli %scan3A_452, %mul3A_453 : i32
            %get3A = arith.index_cast %mul3A_454 : i32 to index
            %get3A_455 = tpu.vector_load %arg7[%get3A] {strides = array<i32>} : memref<2000xi32, #tpu.memory_space<vmem>>, vector<16xi32>,
            %and3A_456 = arith.constant 65535 : i32
            %and3A_457 = vector.broadcast %and3A_456 : i32 to vector<16xi32>
            %and3A_458 = arith.andi %get3A_455, %and3A_457 : vector<16xi32>
            %shift_right_logical3A = arith.constant 16 : i32
            %shift_right_logical3A_459 = vector.broadcast %shift_right_logical3A : i32 to vector<16xi32>
            %shift_right_logical3A_460 = arith.shrui %get3A_455, %shift_right_logical3A_459 : vector<16xi32>
            %add3A_461 = arith.constant 0 : i32
            %add3A_462 = vector.broadcast %add3A_461 : i32 to vector<16xi32>
            %add3A_463 = arith.addi %and3A_458, %add3A_462 : vector<16xi32>
            %gather3A = tpu.vector_load_idx %arg5[%add3A_463] : memref<80000xi32, #tpu.memory_space<vmem>>[vector<16xi32>], vector<16xi32>,
            %add3A_464 = arith.constant 0 : i32
            %add3A_465 = vector.broadcast %add3A_464 : i32 to vector<16xi32>
            %add3A_466 = arith.addi %shift_right_logical3A_460, %add3A_465 : vector<16xi32>
            %gather3A_467 = tpu.vector_load_idx %arg5[%add3A_466] : memref<80000xi32, #tpu.memory_space<vmem>>[vector<16xi32>], vector<16xi32>,
            %bitcast3A = vector.bitcast %gather3A : vector<16xi32> to vector<32xbf16>
            %bitcast3A_468 = vector.bitcast %gather3A_467 : vector<16xi32> to vector<32xbf16>
            %mul3A_469 = arith.mulf %bitcast3A, %bitcast3A_468 : vector<32xbf16>
            %unpack3A = tpu.unpack_subelements %mul3A_469, 0 {pack_format = #tpu.pack_format<interleaved>} : vector<32xbf16> -> vector<16xf32>
            %unpack3A_470 = tpu.unpack_subelements %mul3A_469, 1 {pack_format = #tpu.pack_format<interleaved>} : vector<32xbf16> -> vector<16xf32>
            %add3A_471 = arith.addf %unpack3A, %unpack3A_470 : vector<16xf32>
            %add3A_472 = arith.constant 10000 : i32
            %add3A_473 = vector.broadcast %add3A_472 : i32 to vector<16xi32>
            %add3A_474 = arith.addi %and3A_458, %add3A_473 : vector<16xi32>
            %gather3A_475 = tpu.vector_load_idx %arg5[%add3A_474] : memref<80000xi32, #tpu.memory_space<vmem>>[vector<16xi32>], vector<16xi32>,
            %add3A_476 = arith.constant 10000 : i32
            %add3A_477 = vector.broadcast %add3A_476 : i32 to vector<16xi32>
            %add3A_478 = arith.addi %shift_right_logical3A_460, %add3A_477 : vector<16xi32>
            %gather3A_479 = tpu.vector_load_idx %arg5[%add3A_478] : memref<80000xi32, #tpu.memory_space<vmem>>[vector<16xi32>], vector<16xi32>,
            %bitcast3A_480 = vector.bitcast %gather3A_475 : vector<16xi32> to vector<32xbf16>
            %bitcast3A_481 = vector.bitcast %gather3A_479 : vector<16xi32> to vector<32xbf16>
            %mul3A_482 = arith.mulf %bitcast3A_480, %bitcast3A_481 : vector<32xbf16>
            %unpack3A_483 = tpu.unpack_subelements %mul3A_482, 0 {pack_format = #tpu.pack_format<interleaved>} : vector<32xbf16> -> vector<16xf32>
            %unpack3A_484 = tpu.unpack_subelements %mul3A_482, 1 {pack_format = #tpu.pack_format<interleaved>} : vector<32xbf16> -> vector<16xf32>
            %add3A_485 = arith.addf %unpack3A_483, %unpack3A_484 : vector<16xf32>
            %add3A_486 = arith.constant 20000 : i32
            %add3A_487 = vector.broadcast %add3A_486 : i32 to vector<16xi32>
            %add3A_488 = arith.addi %and3A_458, %add3A_487 : vector<16xi32>
            %gather3A_489 = tpu.vector_load_idx %arg5[%add3A_488] : memref<80000xi32, #tpu.memory_space<vmem>>[vector<16xi32>], vector<16xi32>,
            %add3A_490 = arith.constant 20000 : i32
            %add3A_491 = vector.broadcast %add3A_490 : i32 to vector<16xi32>
            %add3A_492 = arith.addi %shift_right_logical3A_460, %add3A_491 : vector<16xi32>
            %gather3A_493 = tpu.vector_load_idx %arg5[%add3A_492] : memref<80000xi32, #tpu.memory_space<vmem>>[vector<16xi32>], vector<16xi32>,
            %bitcast3A_494 = vector.bitcast %gather3A_489 : vector<16xi32> to vector<32xbf16>
            %bitcast3A_495 = vector.bitcast %gather3A_493 : vector<16xi32> to vector<32xbf16>
            %mul3A_496 = arith.mulf %bitcast3A_494, %bitcast3A_495 : vector<32xbf16>
            %unpack3A_497 = tpu.unpack_subelements %mul3A_496, 0 {pack_format = #tpu.pack_format<interleaved>} : vector<32xbf16> -> vector<16xf32>
            %unpack3A_498 = tpu.unpack_subelements %mul3A_496, 1 {pack_format = #tpu.pack_format<interleaved>} : vector<32xbf16> -> vector<16xf32>
            %add3A_499 = arith.addf %unpack3A_497, %unpack3A_498 : vector<16xf32>
            %add3A_500 = arith.constant 30000 : i32
            %add3A_501 = vector.broadcast %add3A_500 : i32 to vector<16xi32>
            %add3A_502 = arith.addi %and3A_458, %add3A_501 : vector<16xi32>
            %gather3A_503 = tpu.vector_load_idx %arg5[%add3A_502] : memref<80000xi32, #tpu.memory_space<vmem>>[vector<16xi32>], vector<16xi32>,
            %add3A_504 = arith.constant 30000 : i32
            %add3A_505 = vector.broadcast %add3A_504 : i32 to vector<16xi32>
            %add3A_506 = arith.addi %shift_right_logical3A_460, %add3A_505 : vector<16xi32>
            %gather3A_507 = tpu.vector_load_idx %arg5[%add3A_506] : memref<80000xi32, #tpu.memory_space<vmem>>[vector<16xi32>], vector<16xi32>,
            %bitcast3A_508 = vector.bitcast %gather3A_503 : vector<16xi32> to vector<32xbf16>
            %bitcast3A_509 = vector.bitcast %gather3A_507 : vector<16xi32> to vector<32xbf16>
            %mul3A_510 = arith.mulf %bitcast3A_508, %bitcast3A_509 : vector<32xbf16>
            %unpack3A_511 = tpu.unpack_subelements %mul3A_510, 0 {pack_format = #tpu.pack_format<interleaved>} : vector<32xbf16> -> vector<16xf32>
            %unpack3A_512 = tpu.unpack_subelements %mul3A_510, 1 {pack_format = #tpu.pack_format<interleaved>} : vector<32xbf16> -> vector<16xf32>
            %add3A_513 = arith.addf %unpack3A_511, %unpack3A_512 : vector<16xf32>
            %add3A_514 = arith.constant 40000 : i32
            %add3A_515 = vector.broadcast %add3A_514 : i32 to vector<16xi32>
            %add3A_516 = arith.addi %and3A_458, %add3A_515 : vector<16xi32>
            %gather3A_517 = tpu.vector_load_idx %arg5[%add3A_516] : memref<80000xi32, #tpu.memory_space<vmem>>[vector<16xi32>], vector<16xi32>,
            %add3A_518 = arith.constant 40000 : i32
            %add3A_519 = vector.broadcast %add3A_518 : i32 to vector<16xi32>
            %add3A_520 = arith.addi %shift_right_logical3A_460, %add3A_519 : vector<16xi32>
            %gather3A_521 = tpu.vector_load_idx %arg5[%add3A_520] : memref<80000xi32, #tpu.memory_space<vmem>>[vector<16xi32>], vector<16xi32>,
            %bitcast3A_522 = vector.bitcast %gather3A_517 : vector<16xi32> to vector<32xbf16>
            %bitcast3A_523 = vector.bitcast %gather3A_521 : vector<16xi32> to vector<32xbf16>
            %mul3A_524 = arith.mulf %bitcast3A_522, %bitcast3A_523 : vector<32xbf16>
            %unpack3A_525 = tpu.unpack_subelements %mul3A_524, 0 {pack_format = #tpu.pack_format<interleaved>} : vector<32xbf16> -> vector<16xf32>
            %unpack3A_526 = tpu.unpack_subelements %mul3A_524, 1 {pack_format = #tpu.pack_format<interleaved>} : vector<32xbf16> -> vector<16xf32>
            %add3A_527 = arith.addf %unpack3A_525, %unpack3A_526 : vector<16xf32>
            %add3A_528 = arith.constant 50000 : i32
            %add3A_529 = vector.broadcast %add3A_528 : i32 to vector<16xi32>
            %add3A_530 = arith.addi %and3A_458, %add3A_529 : vector<16xi32>
            %gather3A_531 = tpu.vector_load_idx %arg5[%add3A_530] : memref<80000xi32, #tpu.memory_space<vmem>>[vector<16xi32>], vector<16xi32>,
            %add3A_532 = arith.constant 50000 : i32
            %add3A_533 = vector.broadcast %add3A_532 : i32 to vector<16xi32>
            %add3A_534 = arith.addi %shift_right_logical3A_460, %add3A_533 : vector<16xi32>
            %gather3A_535 = tpu.vector_load_idx %arg5[%add3A_534] : memref<80000xi32, #tpu.memory_space<vmem>>[vector<16xi32>], vector<16xi32>,
            %bitcast3A_536 = vector.bitcast %gather3A_531 : vector<16xi32> to vector<32xbf16>
            %bitcast3A_537 = vector.bitcast %gather3A_535 : vector<16xi32> to vector<32xbf16>
            %mul3A_538 = arith.mulf %bitcast3A_536, %bitcast3A_537 : vector<32xbf16>
            %unpack3A_539 = tpu.unpack_subelements %mul3A_538, 0 {pack_format = #tpu.pack_format<interleaved>} : vector<32xbf16> -> vector<16xf32>
            %unpack3A_540 = tpu.unpack_subelements %mul3A_538, 1 {pack_format = #tpu.pack_format<interleaved>} : vector<32xbf16> -> vector<16xf32>
            %add3A_541 = arith.addf %unpack3A_539, %unpack3A_540 : vector<16xf32>
            %add3A_542 = arith.constant 60000 : i32
            %add3A_543 = vector.broadcast %add3A_542 : i32 to vector<16xi32>
            %add3A_544 = arith.addi %and3A_458, %add3A_543 : vector<16xi32>
            %gather3A_545 = tpu.vector_load_idx %arg5[%add3A_544] : memref<80000xi32, #tpu.memory_space<vmem>>[vector<16xi32>], vector<16xi32>,
            %add3A_546 = arith.constant 60000 : i32
            %add3A_547 = vector.broadcast %add3A_546 : i32 to vector<16xi32>
            %add3A_548 = arith.addi %shift_right_logical3A_460, %add3A_547 : vector<16xi32>
            %gather3A_549 = tpu.vector_load_idx %arg5[%add3A_548] : memref<80000xi32, #tpu.memory_space<vmem>>[vector<16xi32>], vector<16xi32>,
            %bitcast3A_550 = vector.bitcast %gather3A_545 : vector<16xi32> to vector<32xbf16>
            %bitcast3A_551 = vector.bitcast %gather3A_549 : vector<16xi32> to vector<32xbf16>
            %mul3A_552 = arith.mulf %bitcast3A_550, %bitcast3A_551 : vector<32xbf16>
            %unpack3A_553 = tpu.unpack_subelements %mul3A_552, 0 {pack_format = #tpu.pack_format<interleaved>} : vector<32xbf16> -> vector<16xf32>
            %unpack3A_554 = tpu.unpack_subelements %mul3A_552, 1 {pack_format = #tpu.pack_format<interleaved>} : vector<32xbf16> -> vector<16xf32>
            %add3A_555 = arith.addf %unpack3A_553, %unpack3A_554 : vector<16xf32>
            %add3A_556 = arith.constant 70000 : i32
            %add3A_557 = vector.broadcast %add3A_556 : i32 to vector<16xi32>
            %add3A_558 = arith.addi %and3A_458, %add3A_557 : vector<16xi32>
            %gather3A_559 = tpu.vector_load_idx %arg5[%add3A_558] : memref<80000xi32, #tpu.memory_space<vmem>>[vector<16xi32>], vector<16xi32>,
            %add3A_560 = arith.constant 70000 : i32
            %add3A_561 = vector.broadcast %add3A_560 : i32 to vector<16xi32>
            %add3A_562 = arith.addi %shift_right_logical3A_460, %add3A_561 : vector<16xi32>
            %gather3A_563 = tpu.vector_load_idx %arg5[%add3A_562] : memref<80000xi32, #tpu.memory_space<vmem>>[vector<16xi32>], vector<16xi32>,
            %bitcast3A_564 = vector.bitcast %gather3A_559 : vector<16xi32> to vector<32xbf16>
            %bitcast3A_565 = vector.bitcast %gather3A_563 : vector<16xi32> to vector<32xbf16>
            %mul3A_566 = arith.mulf %bitcast3A_564, %bitcast3A_565 : vector<32xbf16>
            %unpack3A_567 = tpu.unpack_subelements %mul3A_566, 0 {pack_format = #tpu.pack_format<interleaved>} : vector<32xbf16> -> vector<16xf32>
            %unpack3A_568 = tpu.unpack_subelements %mul3A_566, 1 {pack_format = #tpu.pack_format<interleaved>} : vector<32xbf16> -> vector<16xf32>
            %add3A_569 = arith.addf %unpack3A_567, %unpack3A_568 : vector<16xf32>
            %add3A_570 = arith.addf %add3A_471, %add3A_485 : vector<16xf32>
            %add3A_571 = arith.addf %add3A_499, %add3A_513 : vector<16xf32>
            %add3A_572 = arith.addf %add3A_570, %add3A_571 : vector<16xf32>
            %add3A_573 = arith.addf %add3A_527, %add3A_541 : vector<16xf32>
            %add3A_574 = arith.addf %add3A_555, %add3A_569 : vector<16xf32>
            %add3A_575 = arith.addf %add3A_573, %add3A_574 : vector<16xf32>
            %add3A_576 = arith.addf %add3A_572, %add3A_575 : vector<16xf32>
            %mul3A_577 = arith.constant 16 : i32
            %mul3A_578 = arith.muli %scan3A_452, %mul3A_577 : i32
            %swap3A = arith.index_cast %mul3A_578 : i32 to index
            %swap3A_579 = tpu.vector_load %arg9[%swap3A] {strides = array<i32>} : memref<2048xf32, #tpu.memory_space<vmem>>, vector<16xf32>,
            tpu.vector_store %arg9[%swap3A], %add3A_576 {strides = array<i32>} : memref<2048xf32, #tpu.memory_space<vmem>>, vector<16xf32>,
          }
          %scan3A_437 = arith.constant 125 : i32
          %dma_start3A_438 = arith.constant 0 : i32
          %dma_start3A_439 = arith.constant 0 : i32
          %dma_start3A_440 = tpu.memref_slice %arg13[%arg1, %dma_start3A_438, %dma_start3A_439] : memref<16x8x2048xf32, #tpu.memory_space<vmem_shared>> -> memref<1x8x2048xf32, #tpu.memory_space<vmem_shared>>
          %dma_start3A_441 = tpu.memref_squeeze %dma_start3A_440 : memref<1x8x2048xf32, #tpu.memory_space<vmem_shared>> -> memref<8x2048xf32, #tpu.memory_space<vmem_shared>>
          %dma_start3A_442 = arith.constant 0 : i32
          %dma_start3A_443 = tpu.memref_slice %dma_start3A_441[%scan3A_403, %dma_start3A_442] : memref<8x2048xf32, #tpu.memory_space<vmem_shared>> -> memref<1x2048xf32, #tpu.memory_space<vmem_shared>>
          %dma_start3A_444 = tpu.memref_squeeze %dma_start3A_443 : memref<1x2048xf32, #tpu.memory_space<vmem_shared>> -> memref<2048xf32, #tpu.memory_space<vmem_shared>>
          %dma_start3A_445 = arith.constant 0 : i32
          %dma_start3A_446 = arith.constant 0 : i32
          %dma_start3A_447 = tpu.memref_slice %arg13[%arg1, %dma_start3A_445, %dma_start3A_446] : memref<16x8x2048xf32, #tpu.memory_space<vmem_shared>> -> memref<1x8x2048xf32, #tpu.memory_space<vmem_shared>>
          %dma_start3A_448 = tpu.memref_squeeze %dma_start3A_447 : memref<1x8x2048xf32, #tpu.memory_space<vmem_shared>> -> memref<8x2048xf32, #tpu.memory_space<vmem_shared>>
          %dma_start3A_449 = arith.constant 0 : i32
          %dma_start3A_450 = tpu.memref_slice %dma_start3A_448[%scan3A_403, %dma_start3A_449] : memref<8x2048xf32, #tpu.memory_space<vmem_shared>> -> memref<1x2048xf32, #tpu.memory_space<vmem_shared>>
          %dma_start3A_451 = tpu.memref_squeeze %dma_start3A_450 : memref<1x2048xf32, #tpu.memory_space<vmem_shared>> -> memref<2048xf32, #tpu.memory_space<vmem_shared>>
          tpu.enqueue_dma source(%arg9 : memref<2048xf32, #tpu.memory_space<vmem>>) target(%dma_start3A_451 : memref<2048xf32, #tpu.memory_space<vmem_shared>>) target_semaphore(%arg15 : memref<!tpu.dma_semaphore, #tpu.memory_space<semaphore_mem>>)
        } else {
        }
      }
      %scan3A_50 = arith.constant 8 : i32
      %dma_wait3A = arith.constant 0 : i32
      %dma_wait3A_51 = arith.constant 0 : i32
      %dma_wait3A_52 = arith.constant 0 : i32
      %dma_wait3A_53 = tpu.memref_slice %arg13[%arg1, %dma_wait3A_51, %dma_wait3A_52] : memref<16x8x2048xf32, #tpu.memory_space<vmem_shared>> -> memref<1x8x2048xf32, #tpu.memory_space<vmem_shared>>
      %dma_wait3A_54 = tpu.memref_squeeze %dma_wait3A_53 : memref<1x8x2048xf32, #tpu.memory_space<vmem_shared>> -> memref<8x2048xf32, #tpu.memory_space<vmem_shared>>
      %dma_wait3A_55 = arith.constant 0 : i32
      %dma_wait3A_56 = tpu.memref_slice %dma_wait3A_54[%dma_wait3A, %dma_wait3A_55] : memref<8x2048xf32, #tpu.memory_space<vmem_shared>> -> memref<1x2048xf32, #tpu.memory_space<vmem_shared>>
      %dma_wait3A_57 = tpu.memref_squeeze %dma_wait3A_56 : memref<1x2048xf32, #tpu.memory_space<vmem_shared>> -> memref<2048xf32, #tpu.memory_space<vmem_shared>>
      %dma_wait3A_58 = arith.constant 0 : i32
      %dma_wait3A_59 = arith.constant 0 : i32
      %dma_wait3A_60 = tpu.memref_slice %arg13[%arg1, %dma_wait3A_58, %dma_wait3A_59] : memref<16x8x2048xf32, #tpu.memory_space<vmem_shared>> -> memref<1x8x2048xf32, #tpu.memory_space<vmem_shared>>
      %dma_wait3A_61 = tpu.memref_squeeze %dma_wait3A_60 : memref<1x8x2048xf32, #tpu.memory_space<vmem_shared>> -> memref<8x2048xf32, #tpu.memory_space<vmem_shared>>
      %dma_wait3A_62 = arith.constant 0 : i32
      %dma_wait3A_63 = tpu.memref_slice %dma_wait3A_61[%dma_wait3A, %dma_wait3A_62] : memref<8x2048xf32, #tpu.memory_space<vmem_shared>> -> memref<1x2048xf32, #tpu.memory_space<vmem_shared>>
      %dma_wait3A_64 = tpu.memref_squeeze %dma_wait3A_63 : memref<1x2048xf32, #tpu.memory_space<vmem_shared>> -> memref<2048xf32, #tpu.memory_space<vmem_shared>>
      tpu.wait_dma2 semaphore(%arg15 : memref<!tpu.dma_semaphore, #tpu.memory_space<semaphore_mem>>) src(%arg8 : memref<2048xf32, #tpu.memory_space<vmem>>) dst(%dma_wait3A_64 : memref<2048xf32, #tpu.memory_space<vmem_shared>>)
      %dma_wait3A_65 = arith.constant 0 : i32
      %dma_wait3A_66 = arith.constant 0 : i32
      %dma_wait3A_67 = arith.constant 0 : i32
      %dma_wait3A_68 = tpu.memref_slice %arg13[%arg1, %dma_wait3A_66, %dma_wait3A_67] : memref<16x8x2048xf32, #tpu.memory_space<vmem_shared>> -> memref<1x8x2048xf32, #tpu.memory_space<vmem_shared>>
      %dma_wait3A_69 = tpu.memref_squeeze %dma_wait3A_68 : memref<1x8x2048xf32, #tpu.memory_space<vmem_shared>> -> memref<8x2048xf32, #tpu.memory_space<vmem_shared>>
      %dma_wait3A_70 = arith.constant 0 : i32
      %dma_wait3A_71 = tpu.memref_slice %dma_wait3A_69[%dma_wait3A_65, %dma_wait3A_70] : memref<8x2048xf32, #tpu.memory_space<vmem_shared>> -> memref<1x2048xf32, #tpu.memory_space<vmem_shared>>
      %dma_wait3A_72 = tpu.memref_squeeze %dma_wait3A_71 : memref<1x2048xf32, #tpu.memory_space<vmem_shared>> -> memref<2048xf32, #tpu.memory_space<vmem_shared>>
      %dma_wait3A_73 = arith.constant 0 : i32
      %dma_wait3A_74 = arith.constant 0 : i32
      %dma_wait3A_75 = tpu.memref_slice %arg13[%arg1, %dma_wait3A_73, %dma_wait3A_74] : memref<16x8x2048xf32, #tpu.memory_space<vmem_shared>> -> memref<1x8x2048xf32, #tpu.memory_space<vmem_shared>>
      %dma_wait3A_76 = tpu.memref_squeeze %dma_wait3A_75 : memref<1x8x2048xf32, #tpu.memory_space<vmem_shared>> -> memref<8x2048xf32, #tpu.memory_space<vmem_shared>>
      %dma_wait3A_77 = arith.constant 0 : i32
      %dma_wait3A_78 = tpu.memref_slice %dma_wait3A_76[%dma_wait3A_65, %dma_wait3A_77] : memref<8x2048xf32, #tpu.memory_space<vmem_shared>> -> memref<1x2048xf32, #tpu.memory_space<vmem_shared>>
      %dma_wait3A_79 = tpu.memref_squeeze %dma_wait3A_78 : memref<1x2048xf32, #tpu.memory_space<vmem_shared>> -> memref<2048xf32, #tpu.memory_space<vmem_shared>>
      tpu.wait_dma2 semaphore(%arg15 : memref<!tpu.dma_semaphore, #tpu.memory_space<semaphore_mem>>) src(%arg9 : memref<2048xf32, #tpu.memory_space<vmem>>) dst(%dma_wait3A_79 : memref<2048xf32, #tpu.memory_space<vmem_shared>>)
      %barrier3A = arith.constant 0 : index
      tpu.barrier barrier_id(%barrier3A)
      %mul3A_80 = arith.constant 8 : i32
      %mul3A_81 = arith.muli %select_n3A, %mul3A_80 : i32
      %add3A_82 = arith.constant 0 : i32
      %add3A_83 = arith.addi %mul3A_81, %add3A_82 : i32
      %add3A_84 = arith.constant 0 : i32
      %add3A_85 = arith.addi %add3A_83, %add3A_84 : i32
      %dma_start3A_86 = arith.constant 0 : i32
      %dma_start3A_87 = arith.constant 0 : i32
      %dma_start3A_88 = tpu.memref_slice %arg13[%add3A_85, %dma_start3A_86, %dma_start3A_87] : memref<16x8x2048xf32, #tpu.memory_space<vmem_shared>> -> memref<1x8x2048xf32, #tpu.memory_space<vmem_shared>>
      %dma_start3A_89 = tpu.memref_squeeze %dma_start3A_88 : memref<1x8x2048xf32, #tpu.memory_space<vmem_shared>> -> memref<8x2048xf32, #tpu.memory_space<vmem_shared>>
      %dma_start3A_90 = arith.constant 0 : i32
      %dma_start3A_91 = tpu.memref_slice %dma_start3A_89[%select_n3A_28, %dma_start3A_90] : memref<8x2048xf32, #tpu.memory_space<vmem_shared>> -> memref<1x2048xf32, #tpu.memory_space<vmem_shared>>
      %dma_start3A_92 = tpu.memref_squeeze %dma_start3A_91 : memref<1x2048xf32, #tpu.memory_space<vmem_shared>> -> memref<2048xf32, #tpu.memory_space<vmem_shared>>
      %dma_start3A_93 = arith.constant 0 : i32
      %dma_start3A_94 = arith.constant 0 : i32
      %dma_start3A_95 = tpu.memref_slice %arg13[%add3A_85, %dma_start3A_93, %dma_start3A_94] : memref<16x8x2048xf32, #tpu.memory_space<vmem_shared>> -> memref<1x8x2048xf32, #tpu.memory_space<vmem_shared>>
      %dma_start3A_96 = tpu.memref_squeeze %dma_start3A_95 : memref<1x8x2048xf32, #tpu.memory_space<vmem_shared>> -> memref<8x2048xf32, #tpu.memory_space<vmem_shared>>
      %dma_start3A_97 = arith.constant 0 : i32
      %dma_start3A_98 = tpu.memref_slice %dma_start3A_96[%select_n3A_28, %dma_start3A_97] : memref<8x2048xf32, #tpu.memory_space<vmem_shared>> -> memref<1x2048xf32, #tpu.memory_space<vmem_shared>>
      %dma_start3A_99 = tpu.memref_squeeze %dma_start3A_98 : memref<1x2048xf32, #tpu.memory_space<vmem_shared>> -> memref<2048xf32, #tpu.memory_space<vmem_shared>>
      tpu.enqueue_dma source(%dma_start3A_99 : memref<2048xf32, #tpu.memory_space<vmem_shared>>) target(%arg10 : memref<2048xf32, #tpu.memory_space<vmem>>) target_semaphore(%arg16 : memref<!tpu.dma_semaphore, #tpu.memory_space<semaphore_mem>>)
      %mul3A_100 = arith.constant 8 : i32
      %mul3A_101 = arith.muli %select_n3A, %mul3A_100 : i32
      %add3A_102 = arith.constant 0 : i32
      %add3A_103 = arith.addi %mul3A_101, %add3A_102 : i32
      %add3A_104 = arith.constant 1 : i32
      %add3A_105 = arith.addi %add3A_103, %add3A_104 : i32
      %dma_start3A_106 = arith.constant 0 : i32
      %dma_start3A_107 = arith.constant 0 : i32
      %dma_start3A_108 = tpu.memref_slice %arg13[%add3A_105, %dma_start3A_106, %dma_start3A_107] : memref<16x8x2048xf32, #tpu.memory_space<vmem_shared>> -> memref<1x8x2048xf32, #tpu.memory_space<vmem_shared>>
      %dma_start3A_109 = tpu.memref_squeeze %dma_start3A_108 : memref<1x8x2048xf32, #tpu.memory_space<vmem_shared>> -> memref<8x2048xf32, #tpu.memory_space<vmem_shared>>
      %dma_start3A_110 = arith.constant 0 : i32
      %dma_start3A_111 = tpu.memref_slice %dma_start3A_109[%select_n3A_28, %dma_start3A_110] : memref<8x2048xf32, #tpu.memory_space<vmem_shared>> -> memref<1x2048xf32, #tpu.memory_space<vmem_shared>>
      %dma_start3A_112 = tpu.memref_squeeze %dma_start3A_111 : memref<1x2048xf32, #tpu.memory_space<vmem_shared>> -> memref<2048xf32, #tpu.memory_space<vmem_shared>>
      %dma_start3A_113 = arith.constant 0 : i32
      %dma_start3A_114 = arith.constant 0 : i32
      %dma_start3A_115 = tpu.memref_slice %arg13[%add3A_105, %dma_start3A_113, %dma_start3A_114] : memref<16x8x2048xf32, #tpu.memory_space<vmem_shared>> -> memref<1x8x2048xf32, #tpu.memory_space<vmem_shared>>
      %dma_start3A_116 = tpu.memref_squeeze %dma_start3A_115 : memref<1x8x2048xf32, #tpu.memory_space<vmem_shared>> -> memref<8x2048xf32, #tpu.memory_space<vmem_shared>>
      %dma_start3A_117 = arith.constant 0 : i32
      %dma_start3A_118 = tpu.memref_slice %dma_start3A_116[%select_n3A_28, %dma_start3A_117] : memref<8x2048xf32, #tpu.memory_space<vmem_shared>> -> memref<1x2048xf32, #tpu.memory_space<vmem_shared>>
      %dma_start3A_119 = tpu.memref_squeeze %dma_start3A_118 : memref<1x2048xf32, #tpu.memory_space<vmem_shared>> -> memref<2048xf32, #tpu.memory_space<vmem_shared>>
      tpu.enqueue_dma source(%dma_start3A_119 : memref<2048xf32, #tpu.memory_space<vmem_shared>>) target(%arg11 : memref<2048xf32, #tpu.memory_space<vmem>>) target_semaphore(%arg16 : memref<!tpu.dma_semaphore, #tpu.memory_space<semaphore_mem>>)
      %mul3A_120 = arith.constant 8 : i32
      %mul3A_121 = arith.muli %select_n3A, %mul3A_120 : i32
      %add3A_122 = arith.constant 2 : i32
      %add3A_123 = arith.addi %mul3A_121, %add3A_122 : i32
      %add3A_124 = arith.constant 0 : i32
      %add3A_125 = arith.addi %add3A_123, %add3A_124 : i32
      %dma_start3A_126 = arith.constant 0 : i32
      %dma_start3A_127 = arith.constant 0 : i32
      %dma_start3A_128 = tpu.memref_slice %arg13[%add3A_125, %dma_start3A_126, %dma_start3A_127] : memref<16x8x2048xf32, #tpu.memory_space<vmem_shared>> -> memref<1x8x2048xf32, #tpu.memory_space<vmem_shared>>
      %dma_start3A_129 = tpu.memref_squeeze %dma_start3A_128 : memref<1x8x2048xf32, #tpu.memory_space<vmem_shared>> -> memref<8x2048xf32, #tpu.memory_space<vmem_shared>>
      %dma_start3A_130 = arith.constant 0 : i32
      %dma_start3A_131 = tpu.memref_slice %dma_start3A_129[%select_n3A_28, %dma_start3A_130] : memref<8x2048xf32, #tpu.memory_space<vmem_shared>> -> memref<1x2048xf32, #tpu.memory_space<vmem_shared>>
      %dma_start3A_132 = tpu.memref_squeeze %dma_start3A_131 : memref<1x2048xf32, #tpu.memory_space<vmem_shared>> -> memref<2048xf32, #tpu.memory_space<vmem_shared>>
      %dma_start3A_133 = arith.constant 0 : i32
      %dma_start3A_134 = arith.constant 0 : i32
      %dma_start3A_135 = tpu.memref_slice %arg13[%add3A_125, %dma_start3A_133, %dma_start3A_134] : memref<16x8x2048xf32, #tpu.memory_space<vmem_shared>> -> memref<1x8x2048xf32, #tpu.memory_space<vmem_shared>>
      %dma_start3A_136 = tpu.memref_squeeze %dma_start3A_135 : memref<1x8x2048xf32, #tpu.memory_space<vmem_shared>> -> memref<8x2048xf32, #tpu.memory_space<vmem_shared>>
      %dma_start3A_137 = arith.constant 0 : i32
      %dma_start3A_138 = tpu.memref_slice %dma_start3A_136[%select_n3A_28, %dma_start3A_137] : memref<8x2048xf32, #tpu.memory_space<vmem_shared>> -> memref<1x2048xf32, #tpu.memory_space<vmem_shared>>
      %dma_start3A_139 = tpu.memref_squeeze %dma_start3A_138 : memref<1x2048xf32, #tpu.memory_space<vmem_shared>> -> memref<2048xf32, #tpu.memory_space<vmem_shared>>
      tpu.enqueue_dma source(%dma_start3A_139 : memref<2048xf32, #tpu.memory_space<vmem_shared>>) target(%arg8 : memref<2048xf32, #tpu.memory_space<vmem>>) target_semaphore(%arg17 : memref<!tpu.dma_semaphore, #tpu.memory_space<semaphore_mem>>)
      %mul3A_140 = arith.constant 8 : i32
      %mul3A_141 = arith.muli %select_n3A, %mul3A_140 : i32
      %add3A_142 = arith.constant 2 : i32
      %add3A_143 = arith.addi %mul3A_141, %add3A_142 : i32
      %add3A_144 = arith.constant 1 : i32
      %add3A_145 = arith.addi %add3A_143, %add3A_144 : i32
      %dma_start3A_146 = arith.constant 0 : i32
      %dma_start3A_147 = arith.constant 0 : i32
      %dma_start3A_148 = tpu.memref_slice %arg13[%add3A_145, %dma_start3A_146, %dma_start3A_147] : memref<16x8x2048xf32, #tpu.memory_space<vmem_shared>> -> memref<1x8x2048xf32, #tpu.memory_space<vmem_shared>>
      %dma_start3A_149 = tpu.memref_squeeze %dma_start3A_148 : memref<1x8x2048xf32, #tpu.memory_space<vmem_shared>> -> memref<8x2048xf32, #tpu.memory_space<vmem_shared>>
      %dma_start3A_150 = arith.constant 0 : i32
      %dma_start3A_151 = tpu.memref_slice %dma_start3A_149[%select_n3A_28, %dma_start3A_150] : memref<8x2048xf32, #tpu.memory_space<vmem_shared>> -> memref<1x2048xf32, #tpu.memory_space<vmem_shared>>
      %dma_start3A_152 = tpu.memref_squeeze %dma_start3A_151 : memref<1x2048xf32, #tpu.memory_space<vmem_shared>> -> memref<2048xf32, #tpu.memory_space<vmem_shared>>
      %dma_start3A_153 = arith.constant 0 : i32
      %dma_start3A_154 = arith.constant 0 : i32
      %dma_start3A_155 = tpu.memref_slice %arg13[%add3A_145, %dma_start3A_153, %dma_start3A_154] : memref<16x8x2048xf32, #tpu.memory_space<vmem_shared>> -> memref<1x8x2048xf32, #tpu.memory_space<vmem_shared>>
      %dma_start3A_156 = tpu.memref_squeeze %dma_start3A_155 : memref<1x8x2048xf32, #tpu.memory_space<vmem_shared>> -> memref<8x2048xf32, #tpu.memory_space<vmem_shared>>
      %dma_start3A_157 = arith.constant 0 : i32
      %dma_start3A_158 = tpu.memref_slice %dma_start3A_156[%select_n3A_28, %dma_start3A_157] : memref<8x2048xf32, #tpu.memory_space<vmem_shared>> -> memref<1x2048xf32, #tpu.memory_space<vmem_shared>>
      %dma_start3A_159 = tpu.memref_squeeze %dma_start3A_158 : memref<1x2048xf32, #tpu.memory_space<vmem_shared>> -> memref<2048xf32, #tpu.memory_space<vmem_shared>>
      tpu.enqueue_dma source(%dma_start3A_159 : memref<2048xf32, #tpu.memory_space<vmem_shared>>) target(%arg9 : memref<2048xf32, #tpu.memory_space<vmem>>) target_semaphore(%arg17 : memref<!tpu.dma_semaphore, #tpu.memory_space<semaphore_mem>>)
      %dma_wait3A_160 = arith.constant 0 : i32
      %dma_wait3A_161 = arith.constant 0 : i32
      %dma_wait3A_162 = arith.constant 0 : i32
      %dma_wait3A_163 = arith.constant 0 : i32
      %dma_wait3A_164 = tpu.memref_slice %arg13[%dma_wait3A_160, %dma_wait3A_162, %dma_wait3A_163] : memref<16x8x2048xf32, #tpu.memory_space<vmem_shared>> -> memref<1x8x2048xf32, #tpu.memory_space<vmem_shared>>
      %dma_wait3A_165 = tpu.memref_squeeze %dma_wait3A_164 : memref<1x8x2048xf32, #tpu.memory_space<vmem_shared>> -> memref<8x2048xf32, #tpu.memory_space<vmem_shared>>
      %dma_wait3A_166 = arith.constant 0 : i32
      %dma_wait3A_167 = tpu.memref_slice %dma_wait3A_165[%dma_wait3A_161, %dma_wait3A_166] : memref<8x2048xf32, #tpu.memory_space<vmem_shared>> -> memref<1x2048xf32, #tpu.memory_space<vmem_shared>>
      %dma_wait3A_168 = tpu.memref_squeeze %dma_wait3A_167 : memref<1x2048xf32, #tpu.memory_space<vmem_shared>> -> memref<2048xf32, #tpu.memory_space<vmem_shared>>
      %dma_wait3A_169 = arith.constant 0 : i32
      %dma_wait3A_170 = arith.constant 0 : i32
      %dma_wait3A_171 = tpu.memref_slice %arg13[%dma_wait3A_160, %dma_wait3A_169, %dma_wait3A_170] : memref<16x8x2048xf32, #tpu.memory_space<vmem_shared>> -> memref<1x8x2048xf32, #tpu.memory_space<vmem_shared>>
      %dma_wait3A_172 = tpu.memref_squeeze %dma_wait3A_171 : memref<1x8x2048xf32, #tpu.memory_space<vmem_shared>> -> memref<8x2048xf32, #tpu.memory_space<vmem_shared>>
      %dma_wait3A_173 = arith.constant 0 : i32
      %dma_wait3A_174 = tpu.memref_slice %dma_wait3A_172[%dma_wait3A_161, %dma_wait3A_173] : memref<8x2048xf32, #tpu.memory_space<vmem_shared>> -> memref<1x2048xf32, #tpu.memory_space<vmem_shared>>
      %dma_wait3A_175 = tpu.memref_squeeze %dma_wait3A_174 : memref<1x2048xf32, #tpu.memory_space<vmem_shared>> -> memref<2048xf32, #tpu.memory_space<vmem_shared>>
      tpu.wait_dma2 semaphore(%arg16 : memref<!tpu.dma_semaphore, #tpu.memory_space<semaphore_mem>>) src(%dma_wait3A_175 : memref<2048xf32, #tpu.memory_space<vmem_shared>>) dst(%arg10 : memref<2048xf32, #tpu.memory_space<vmem>>)
      %dma_wait3A_176 = arith.constant 0 : i32
      %dma_wait3A_177 = arith.constant 0 : i32
      %dma_wait3A_178 = arith.constant 0 : i32
      %dma_wait3A_179 = arith.constant 0 : i32
      %dma_wait3A_180 = tpu.memref_slice %arg13[%dma_wait3A_176, %dma_wait3A_178, %dma_wait3A_179] : memref<16x8x2048xf32, #tpu.memory_space<vmem_shared>> -> memref<1x8x2048xf32, #tpu.memory_space<vmem_shared>>
      %dma_wait3A_181 = tpu.memref_squeeze %dma_wait3A_180 : memref<1x8x2048xf32, #tpu.memory_space<vmem_shared>> -> memref<8x2048xf32, #tpu.memory_space<vmem_shared>>
      %dma_wait3A_182 = arith.constant 0 : i32
      %dma_wait3A_183 = tpu.memref_slice %dma_wait3A_181[%dma_wait3A_177, %dma_wait3A_182] : memref<8x2048xf32, #tpu.memory_space<vmem_shared>> -> memref<1x2048xf32, #tpu.memory_space<vmem_shared>>
      %dma_wait3A_184 = tpu.memref_squeeze %dma_wait3A_183 : memref<1x2048xf32, #tpu.memory_space<vmem_shared>> -> memref<2048xf32, #tpu.memory_space<vmem_shared>>
      %dma_wait3A_185 = arith.constant 0 : i32
      %dma_wait3A_186 = arith.constant 0 : i32
      %dma_wait3A_187 = tpu.memref_slice %arg13[%dma_wait3A_176, %dma_wait3A_185, %dma_wait3A_186] : memref<16x8x2048xf32, #tpu.memory_space<vmem_shared>> -> memref<1x8x2048xf32, #tpu.memory_space<vmem_shared>>
      %dma_wait3A_188 = tpu.memref_squeeze %dma_wait3A_187 : memref<1x8x2048xf32, #tpu.memory_space<vmem_shared>> -> memref<8x2048xf32, #tpu.memory_space<vmem_shared>>
      %dma_wait3A_189 = arith.constant 0 : i32
      %dma_wait3A_190 = tpu.memref_slice %dma_wait3A_188[%dma_wait3A_177, %dma_wait3A_189] : memref<8x2048xf32, #tpu.memory_space<vmem_shared>> -> memref<1x2048xf32, #tpu.memory_space<vmem_shared>>
      %dma_wait3A_191 = tpu.memref_squeeze %dma_wait3A_190 : memref<1x2048xf32, #tpu.memory_space<vmem_shared>> -> memref<2048xf32, #tpu.memory_space<vmem_shared>>
      tpu.wait_dma2 semaphore(%arg16 : memref<!tpu.dma_semaphore, #tpu.memory_space<semaphore_mem>>) src(%dma_wait3A_191 : memref<2048xf32, #tpu.memory_space<vmem_shared>>) dst(%arg11 : memref<2048xf32, #tpu.memory_space<vmem>>)
      %scan3A_192 = arith.constant 0 : i32
      %scan3A_193 = arith.constant 0 : i32
      %scan3A_194 = arith.constant 125 : i32
      %scan3A_195 = arith.addi %scan3A_193, %scan3A_194 : i32
      %scan3A_196 = arith.constant 1 : i32
      scf.for %scan3A_403 = %scan3A_193 to %scan3A_195 step %scan3A_196  : i32 {
        %mul3A_404 = arith.constant 16 : i32
        %mul3A_405 = arith.muli %scan3A_403, %mul3A_404 : i32
        %get3A = arith.index_cast %mul3A_405 : i32 to index
        %get3A_406 = tpu.vector_load %arg10[%get3A] {strides = array<i32>} : memref<2048xf32, #tpu.memory_space<vmem>>, vector<16xf32>,
        %get3A_407 = arith.index_cast %mul3A_405 : i32 to index
        %get3A_408 = tpu.vector_load %arg11[%get3A_407] {strides = array<i32>} : memref<2048xf32, #tpu.memory_space<vmem>>, vector<16xf32>,
        %add3A_409 = arith.addf %get3A_406, %get3A_408 : vector<16xf32>
        %swap3A = arith.index_cast %mul3A_405 : i32 to index
        %swap3A_410 = tpu.vector_load %arg12[%swap3A] {strides = array<i32>} : memref<2000xf32, #tpu.memory_space<vmem>>, vector<16xf32>,
        tpu.vector_store %arg12[%swap3A], %add3A_409 {strides = array<i32>} : memref<2000xf32, #tpu.memory_space<vmem>>, vector<16xf32>,
      }
      %scan3A_197 = arith.constant 125 : i32
      %mul3A_198 = arith.constant 8 : i32
      %mul3A_199 = arith.muli %select_n3A, %mul3A_198 : i32
      %add3A_200 = arith.constant 4 : i32
      %add3A_201 = arith.addi %mul3A_199, %add3A_200 : i32
      %add3A_202 = arith.constant 0 : i32
      %add3A_203 = arith.addi %add3A_201, %add3A_202 : i32
      %dma_start3A_204 = arith.constant 0 : i32
      %dma_start3A_205 = arith.constant 0 : i32
      %dma_start3A_206 = tpu.memref_slice %arg13[%add3A_203, %dma_start3A_204, %dma_start3A_205] : memref<16x8x2048xf32, #tpu.memory_space<vmem_shared>> -> memref<1x8x2048xf32, #tpu.memory_space<vmem_shared>>
      %dma_start3A_207 = tpu.memref_squeeze %dma_start3A_206 : memref<1x8x2048xf32, #tpu.memory_space<vmem_shared>> -> memref<8x2048xf32, #tpu.memory_space<vmem_shared>>
      %dma_start3A_208 = arith.constant 0 : i32
      %dma_start3A_209 = tpu.memref_slice %dma_start3A_207[%select_n3A_28, %dma_start3A_208] : memref<8x2048xf32, #tpu.memory_space<vmem_shared>> -> memref<1x2048xf32, #tpu.memory_space<vmem_shared>>
      %dma_start3A_210 = tpu.memref_squeeze %dma_start3A_209 : memref<1x2048xf32, #tpu.memory_space<vmem_shared>> -> memref<2048xf32, #tpu.memory_space<vmem_shared>>
      %dma_start3A_211 = arith.constant 0 : i32
      %dma_start3A_212 = arith.constant 0 : i32
      %dma_start3A_213 = tpu.memref_slice %arg13[%add3A_203, %dma_start3A_211, %dma_start3A_212] : memref<16x8x2048xf32, #tpu.memory_space<vmem_shared>> -> memref<1x8x2048xf32, #tpu.memory_space<vmem_shared>>
      %dma_start3A_214 = tpu.memref_squeeze %dma_start3A_213 : memref<1x8x2048xf32, #tpu.memory_space<vmem_shared>> -> memref<8x2048xf32, #tpu.memory_space<vmem_shared>>
      %dma_start3A_215 = arith.constant 0 : i32
      %dma_start3A_216 = tpu.memref_slice %dma_start3A_214[%select_n3A_28, %dma_start3A_215] : memref<8x2048xf32, #tpu.memory_space<vmem_shared>> -> memref<1x2048xf32, #tpu.memory_space<vmem_shared>>
      %dma_start3A_217 = tpu.memref_squeeze %dma_start3A_216 : memref<1x2048xf32, #tpu.memory_space<vmem_shared>> -> memref<2048xf32, #tpu.memory_space<vmem_shared>>
      tpu.enqueue_dma source(%dma_start3A_217 : memref<2048xf32, #tpu.memory_space<vmem_shared>>) target(%arg10 : memref<2048xf32, #tpu.memory_space<vmem>>) target_semaphore(%arg16 : memref<!tpu.dma_semaphore, #tpu.memory_space<semaphore_mem>>)
      %mul3A_218 = arith.constant 8 : i32
      %mul3A_219 = arith.muli %select_n3A, %mul3A_218 : i32
      %add3A_220 = arith.constant 4 : i32
      %add3A_221 = arith.addi %mul3A_219, %add3A_220 : i32
      %add3A_222 = arith.constant 1 : i32
      %add3A_223 = arith.addi %add3A_221, %add3A_222 : i32
      %dma_start3A_224 = arith.constant 0 : i32
      %dma_start3A_225 = arith.constant 0 : i32
      %dma_start3A_226 = tpu.memref_slice %arg13[%add3A_223, %dma_start3A_224, %dma_start3A_225] : memref<16x8x2048xf32, #tpu.memory_space<vmem_shared>> -> memref<1x8x2048xf32, #tpu.memory_space<vmem_shared>>
      %dma_start3A_227 = tpu.memref_squeeze %dma_start3A_226 : memref<1x8x2048xf32, #tpu.memory_space<vmem_shared>> -> memref<8x2048xf32, #tpu.memory_space<vmem_shared>>
      %dma_start3A_228 = arith.constant 0 : i32
      %dma_start3A_229 = tpu.memref_slice %dma_start3A_227[%select_n3A_28, %dma_start3A_228] : memref<8x2048xf32, #tpu.memory_space<vmem_shared>> -> memref<1x2048xf32, #tpu.memory_space<vmem_shared>>
      %dma_start3A_230 = tpu.memref_squeeze %dma_start3A_229 : memref<1x2048xf32, #tpu.memory_space<vmem_shared>> -> memref<2048xf32, #tpu.memory_space<vmem_shared>>
      %dma_start3A_231 = arith.constant 0 : i32
      %dma_start3A_232 = arith.constant 0 : i32
      %dma_start3A_233 = tpu.memref_slice %arg13[%add3A_223, %dma_start3A_231, %dma_start3A_232] : memref<16x8x2048xf32, #tpu.memory_space<vmem_shared>> -> memref<1x8x2048xf32, #tpu.memory_space<vmem_shared>>
      %dma_start3A_234 = tpu.memref_squeeze %dma_start3A_233 : memref<1x8x2048xf32, #tpu.memory_space<vmem_shared>> -> memref<8x2048xf32, #tpu.memory_space<vmem_shared>>
      %dma_start3A_235 = arith.constant 0 : i32
      %dma_start3A_236 = tpu.memref_slice %dma_start3A_234[%select_n3A_28, %dma_start3A_235] : memref<8x2048xf32, #tpu.memory_space<vmem_shared>> -> memref<1x2048xf32, #tpu.memory_space<vmem_shared>>
      %dma_start3A_237 = tpu.memref_squeeze %dma_start3A_236 : memref<1x2048xf32, #tpu.memory_space<vmem_shared>> -> memref<2048xf32, #tpu.memory_space<vmem_shared>>
      tpu.enqueue_dma source(%dma_start3A_237 : memref<2048xf32, #tpu.memory_space<vmem_shared>>) target(%arg11 : memref<2048xf32, #tpu.memory_space<vmem>>) target_semaphore(%arg16 : memref<!tpu.dma_semaphore, #tpu.memory_space<semaphore_mem>>)
      %dma_wait3A_238 = arith.constant 0 : i32
      %dma_wait3A_239 = arith.constant 0 : i32
      %dma_wait3A_240 = arith.constant 0 : i32
      %dma_wait3A_241 = arith.constant 0 : i32
      %dma_wait3A_242 = tpu.memref_slice %arg13[%dma_wait3A_238, %dma_wait3A_240, %dma_wait3A_241] : memref<16x8x2048xf32, #tpu.memory_space<vmem_shared>> -> memref<1x8x2048xf32, #tpu.memory_space<vmem_shared>>
      %dma_wait3A_243 = tpu.memref_squeeze %dma_wait3A_242 : memref<1x8x2048xf32, #tpu.memory_space<vmem_shared>> -> memref<8x2048xf32, #tpu.memory_space<vmem_shared>>
      %dma_wait3A_244 = arith.constant 0 : i32
      %dma_wait3A_245 = tpu.memref_slice %dma_wait3A_243[%dma_wait3A_239, %dma_wait3A_244] : memref<8x2048xf32, #tpu.memory_space<vmem_shared>> -> memref<1x2048xf32, #tpu.memory_space<vmem_shared>>
      %dma_wait3A_246 = tpu.memref_squeeze %dma_wait3A_245 : memref<1x2048xf32, #tpu.memory_space<vmem_shared>> -> memref<2048xf32, #tpu.memory_space<vmem_shared>>
      %dma_wait3A_247 = arith.constant 0 : i32
      %dma_wait3A_248 = arith.constant 0 : i32
      %dma_wait3A_249 = tpu.memref_slice %arg13[%dma_wait3A_238, %dma_wait3A_247, %dma_wait3A_248] : memref<16x8x2048xf32, #tpu.memory_space<vmem_shared>> -> memref<1x8x2048xf32, #tpu.memory_space<vmem_shared>>
      %dma_wait3A_250 = tpu.memref_squeeze %dma_wait3A_249 : memref<1x8x2048xf32, #tpu.memory_space<vmem_shared>> -> memref<8x2048xf32, #tpu.memory_space<vmem_shared>>
      %dma_wait3A_251 = arith.constant 0 : i32
      %dma_wait3A_252 = tpu.memref_slice %dma_wait3A_250[%dma_wait3A_239, %dma_wait3A_251] : memref<8x2048xf32, #tpu.memory_space<vmem_shared>> -> memref<1x2048xf32, #tpu.memory_space<vmem_shared>>
      %dma_wait3A_253 = tpu.memref_squeeze %dma_wait3A_252 : memref<1x2048xf32, #tpu.memory_space<vmem_shared>> -> memref<2048xf32, #tpu.memory_space<vmem_shared>>
      tpu.wait_dma2 semaphore(%arg17 : memref<!tpu.dma_semaphore, #tpu.memory_space<semaphore_mem>>) src(%dma_wait3A_253 : memref<2048xf32, #tpu.memory_space<vmem_shared>>) dst(%arg8 : memref<2048xf32, #tpu.memory_space<vmem>>)
      %dma_wait3A_254 = arith.constant 0 : i32
      %dma_wait3A_255 = arith.constant 0 : i32
      %dma_wait3A_256 = arith.constant 0 : i32
      %dma_wait3A_257 = arith.constant 0 : i32
      %dma_wait3A_258 = tpu.memref_slice %arg13[%dma_wait3A_254, %dma_wait3A_256, %dma_wait3A_257] : memref<16x8x2048xf32, #tpu.memory_space<vmem_shared>> -> memref<1x8x2048xf32, #tpu.memory_space<vmem_shared>>
      %dma_wait3A_259 = tpu.memref_squeeze %dma_wait3A_258 : memref<1x8x2048xf32, #tpu.memory_space<vmem_shared>> -> memref<8x2048xf32, #tpu.memory_space<vmem_shared>>
      %dma_wait3A_260 = arith.constant 0 : i32
      %dma_wait3A_261 = tpu.memref_slice %dma_wait3A_259[%dma_wait3A_255, %dma_wait3A_260] : memref<8x2048xf32, #tpu.memory_space<vmem_shared>> -> memref<1x2048xf32, #tpu.memory_space<vmem_shared>>
      %dma_wait3A_262 = tpu.memref_squeeze %dma_wait3A_261 : memref<1x2048xf32, #tpu.memory_space<vmem_shared>> -> memref<2048xf32, #tpu.memory_space<vmem_shared>>
      %dma_wait3A_263 = arith.constant 0 : i32
      %dma_wait3A_264 = arith.constant 0 : i32
      %dma_wait3A_265 = tpu.memref_slice %arg13[%dma_wait3A_254, %dma_wait3A_263, %dma_wait3A_264] : memref<16x8x2048xf32, #tpu.memory_space<vmem_shared>> -> memref<1x8x2048xf32, #tpu.memory_space<vmem_shared>>
      %dma_wait3A_266 = tpu.memref_squeeze %dma_wait3A_265 : memref<1x8x2048xf32, #tpu.memory_space<vmem_shared>> -> memref<8x2048xf32, #tpu.memory_space<vmem_shared>>
      %dma_wait3A_267 = arith.constant 0 : i32
      %dma_wait3A_268 = tpu.memref_slice %dma_wait3A_266[%dma_wait3A_255, %dma_wait3A_267] : memref<8x2048xf32, #tpu.memory_space<vmem_shared>> -> memref<1x2048xf32, #tpu.memory_space<vmem_shared>>
      %dma_wait3A_269 = tpu.memref_squeeze %dma_wait3A_268 : memref<1x2048xf32, #tpu.memory_space<vmem_shared>> -> memref<2048xf32, #tpu.memory_space<vmem_shared>>
      tpu.wait_dma2 semaphore(%arg17 : memref<!tpu.dma_semaphore, #tpu.memory_space<semaphore_mem>>) src(%dma_wait3A_269 : memref<2048xf32, #tpu.memory_space<vmem_shared>>) dst(%arg9 : memref<2048xf32, #tpu.memory_space<vmem>>)
      %scan3A_270 = arith.constant 0 : i32
      %scan3A_271 = arith.constant 0 : i32
      %scan3A_272 = arith.constant 125 : i32
      %scan3A_273 = arith.addi %scan3A_271, %scan3A_272 : i32
      %scan3A_274 = arith.constant 1 : i32
      scf.for %scan3A_403 = %scan3A_271 to %scan3A_273 step %scan3A_274  : i32 {
        %mul3A_404 = arith.constant 16 : i32
        %mul3A_405 = arith.muli %scan3A_403, %mul3A_404 : i32
        %get3A = arith.index_cast %mul3A_405 : i32 to index
        %get3A_406 = tpu.vector_load %arg8[%get3A] {strides = array<i32>} : memref<2048xf32, #tpu.memory_space<vmem>>, vector<16xf32>,
        %get3A_407 = arith.index_cast %mul3A_405 : i32 to index
        %get3A_408 = tpu.vector_load %arg9[%get3A_407] {strides = array<i32>} : memref<2048xf32, #tpu.memory_space<vmem>>, vector<16xf32>,
        %add3A_409 = arith.addf %get3A_406, %get3A_408 : vector<16xf32>
        %get3A_410 = arith.index_cast %mul3A_405 : i32 to index
        %get3A_411 = tpu.vector_load %arg12[%get3A_410] {strides = array<i32>} : memref<2000xf32, #tpu.memory_space<vmem>>, vector<16xf32>,
        %add3A_412 = arith.addf %add3A_409, %get3A_411 : vector<16xf32>
        %swap3A = arith.index_cast %mul3A_405 : i32 to index
        %swap3A_413 = tpu.vector_load %arg12[%swap3A] {strides = array<i32>} : memref<2000xf32, #tpu.memory_space<vmem>>, vector<16xf32>,
        tpu.vector_store %arg12[%swap3A], %add3A_412 {strides = array<i32>} : memref<2000xf32, #tpu.memory_space<vmem>>, vector<16xf32>,
      }
      %scan3A_275 = arith.constant 125 : i32
      %mul3A_276 = arith.constant 8 : i32
      %mul3A_277 = arith.muli %select_n3A, %mul3A_276 : i32
      %add3A_278 = arith.constant 6 : i32
      %add3A_279 = arith.addi %mul3A_277, %add3A_278 : i32
      %add3A_280 = arith.constant 0 : i32
      %add3A_281 = arith.addi %add3A_279, %add3A_280 : i32
      %dma_start3A_282 = arith.constant 0 : i32
      %dma_start3A_283 = arith.constant 0 : i32
      %dma_start3A_284 = tpu.memref_slice %arg13[%add3A_281, %dma_start3A_282, %dma_start3A_283] : memref<16x8x2048xf32, #tpu.memory_space<vmem_shared>> -> memref<1x8x2048xf32, #tpu.memory_space<vmem_shared>>
      %dma_start3A_285 = tpu.memref_squeeze %dma_start3A_284 : memref<1x8x2048xf32, #tpu.memory_space<vmem_shared>> -> memref<8x2048xf32, #tpu.memory_space<vmem_shared>>
      %dma_start3A_286 = arith.constant 0 : i32
      %dma_start3A_287 = tpu.memref_slice %dma_start3A_285[%select_n3A_28, %dma_start3A_286] : memref<8x2048xf32, #tpu.memory_space<vmem_shared>> -> memref<1x2048xf32, #tpu.memory_space<vmem_shared>>
      %dma_start3A_288 = tpu.memref_squeeze %dma_start3A_287 : memref<1x2048xf32, #tpu.memory_space<vmem_shared>> -> memref<2048xf32, #tpu.memory_space<vmem_shared>>
      %dma_start3A_289 = arith.constant 0 : i32
      %dma_start3A_290 = arith.constant 0 : i32
      %dma_start3A_291 = tpu.memref_slice %arg13[%add3A_281, %dma_start3A_289, %dma_start3A_290] : memref<16x8x2048xf32, #tpu.memory_space<vmem_shared>> -> memref<1x8x2048xf32, #tpu.memory_space<vmem_shared>>
      %dma_start3A_292 = tpu.memref_squeeze %dma_start3A_291 : memref<1x8x2048xf32, #tpu.memory_space<vmem_shared>> -> memref<8x2048xf32, #tpu.memory_space<vmem_shared>>
      %dma_start3A_293 = arith.constant 0 : i32
      %dma_start3A_294 = tpu.memref_slice %dma_start3A_292[%select_n3A_28, %dma_start3A_293] : memref<8x2048xf32, #tpu.memory_space<vmem_shared>> -> memref<1x2048xf32, #tpu.memory_space<vmem_shared>>
      %dma_start3A_295 = tpu.memref_squeeze %dma_start3A_294 : memref<1x2048xf32, #tpu.memory_space<vmem_shared>> -> memref<2048xf32, #tpu.memory_space<vmem_shared>>
      tpu.enqueue_dma source(%dma_start3A_295 : memref<2048xf32, #tpu.memory_space<vmem_shared>>) target(%arg8 : memref<2048xf32, #tpu.memory_space<vmem>>) target_semaphore(%arg17 : memref<!tpu.dma_semaphore, #tpu.memory_space<semaphore_mem>>)
      %mul3A_296 = arith.constant 8 : i32
      %mul3A_297 = arith.muli %select_n3A, %mul3A_296 : i32
      %add3A_298 = arith.constant 6 : i32
      %add3A_299 = arith.addi %mul3A_297, %add3A_298 : i32
      %add3A_300 = arith.constant 1 : i32
      %add3A_301 = arith.addi %add3A_299, %add3A_300 : i32
      %dma_start3A_302 = arith.constant 0 : i32
      %dma_start3A_303 = arith.constant 0 : i32
      %dma_start3A_304 = tpu.memref_slice %arg13[%add3A_301, %dma_start3A_302, %dma_start3A_303] : memref<16x8x2048xf32, #tpu.memory_space<vmem_shared>> -> memref<1x8x2048xf32, #tpu.memory_space<vmem_shared>>
      %dma_start3A_305 = tpu.memref_squeeze %dma_start3A_304 : memref<1x8x2048xf32, #tpu.memory_space<vmem_shared>> -> memref<8x2048xf32, #tpu.memory_space<vmem_shared>>
      %dma_start3A_306 = arith.constant 0 : i32
      %dma_start3A_307 = tpu.memref_slice %dma_start3A_305[%select_n3A_28, %dma_start3A_306] : memref<8x2048xf32, #tpu.memory_space<vmem_shared>> -> memref<1x2048xf32, #tpu.memory_space<vmem_shared>>
      %dma_start3A_308 = tpu.memref_squeeze %dma_start3A_307 : memref<1x2048xf32, #tpu.memory_space<vmem_shared>> -> memref<2048xf32, #tpu.memory_space<vmem_shared>>
      %dma_start3A_309 = arith.constant 0 : i32
      %dma_start3A_310 = arith.constant 0 : i32
      %dma_start3A_311 = tpu.memref_slice %arg13[%add3A_301, %dma_start3A_309, %dma_start3A_310] : memref<16x8x2048xf32, #tpu.memory_space<vmem_shared>> -> memref<1x8x2048xf32, #tpu.memory_space<vmem_shared>>
      %dma_start3A_312 = tpu.memref_squeeze %dma_start3A_311 : memref<1x8x2048xf32, #tpu.memory_space<vmem_shared>> -> memref<8x2048xf32, #tpu.memory_space<vmem_shared>>
      %dma_start3A_313 = arith.constant 0 : i32
      %dma_start3A_314 = tpu.memref_slice %dma_start3A_312[%select_n3A_28, %dma_start3A_313] : memref<8x2048xf32, #tpu.memory_space<vmem_shared>> -> memref<1x2048xf32, #tpu.memory_space<vmem_shared>>
      %dma_start3A_315 = tpu.memref_squeeze %dma_start3A_314 : memref<1x2048xf32, #tpu.memory_space<vmem_shared>> -> memref<2048xf32, #tpu.memory_space<vmem_shared>>
      tpu.enqueue_dma source(%dma_start3A_315 : memref<2048xf32, #tpu.memory_space<vmem_shared>>) target(%arg9 : memref<2048xf32, #tpu.memory_space<vmem>>) target_semaphore(%arg17 : memref<!tpu.dma_semaphore, #tpu.memory_space<semaphore_mem>>)
      %dma_wait3A_316 = arith.constant 0 : i32
      %dma_wait3A_317 = arith.constant 0 : i32
      %dma_wait3A_318 = arith.constant 0 : i32
      %dma_wait3A_319 = arith.constant 0 : i32
      %dma_wait3A_320 = tpu.memref_slice %arg13[%dma_wait3A_316, %dma_wait3A_318, %dma_wait3A_319] : memref<16x8x2048xf32, #tpu.memory_space<vmem_shared>> -> memref<1x8x2048xf32, #tpu.memory_space<vmem_shared>>
      %dma_wait3A_321 = tpu.memref_squeeze %dma_wait3A_320 : memref<1x8x2048xf32, #tpu.memory_space<vmem_shared>> -> memref<8x2048xf32, #tpu.memory_space<vmem_shared>>
      %dma_wait3A_322 = arith.constant 0 : i32
      %dma_wait3A_323 = tpu.memref_slice %dma_wait3A_321[%dma_wait3A_317, %dma_wait3A_322] : memref<8x2048xf32, #tpu.memory_space<vmem_shared>> -> memref<1x2048xf32, #tpu.memory_space<vmem_shared>>
      %dma_wait3A_324 = tpu.memref_squeeze %dma_wait3A_323 : memref<1x2048xf32, #tpu.memory_space<vmem_shared>> -> memref<2048xf32, #tpu.memory_space<vmem_shared>>
      %dma_wait3A_325 = arith.constant 0 : i32
      %dma_wait3A_326 = arith.constant 0 : i32
      %dma_wait3A_327 = tpu.memref_slice %arg13[%dma_wait3A_316, %dma_wait3A_325, %dma_wait3A_326] : memref<16x8x2048xf32, #tpu.memory_space<vmem_shared>> -> memref<1x8x2048xf32, #tpu.memory_space<vmem_shared>>
      %dma_wait3A_328 = tpu.memref_squeeze %dma_wait3A_327 : memref<1x8x2048xf32, #tpu.memory_space<vmem_shared>> -> memref<8x2048xf32, #tpu.memory_space<vmem_shared>>
      %dma_wait3A_329 = arith.constant 0 : i32
      %dma_wait3A_330 = tpu.memref_slice %dma_wait3A_328[%dma_wait3A_317, %dma_wait3A_329] : memref<8x2048xf32, #tpu.memory_space<vmem_shared>> -> memref<1x2048xf32, #tpu.memory_space<vmem_shared>>
      %dma_wait3A_331 = tpu.memref_squeeze %dma_wait3A_330 : memref<1x2048xf32, #tpu.memory_space<vmem_shared>> -> memref<2048xf32, #tpu.memory_space<vmem_shared>>
      tpu.wait_dma2 semaphore(%arg16 : memref<!tpu.dma_semaphore, #tpu.memory_space<semaphore_mem>>) src(%dma_wait3A_331 : memref<2048xf32, #tpu.memory_space<vmem_shared>>) dst(%arg10 : memref<2048xf32, #tpu.memory_space<vmem>>)
      %dma_wait3A_332 = arith.constant 0 : i32
      %dma_wait3A_333 = arith.constant 0 : i32
      %dma_wait3A_334 = arith.constant 0 : i32
      %dma_wait3A_335 = arith.constant 0 : i32
      %dma_wait3A_336 = tpu.memref_slice %arg13[%dma_wait3A_332, %dma_wait3A_334, %dma_wait3A_335] : memref<16x8x2048xf32, #tpu.memory_space<vmem_shared>> -> memref<1x8x2048xf32, #tpu.memory_space<vmem_shared>>
      %dma_wait3A_337 = tpu.memref_squeeze %dma_wait3A_336 : memref<1x8x2048xf32, #tpu.memory_space<vmem_shared>> -> memref<8x2048xf32, #tpu.memory_space<vmem_shared>>
      %dma_wait3A_338 = arith.constant 0 : i32
      %dma_wait3A_339 = tpu.memref_slice %dma_wait3A_337[%dma_wait3A_333, %dma_wait3A_338] : memref<8x2048xf32, #tpu.memory_space<vmem_shared>> -> memref<1x2048xf32, #tpu.memory_space<vmem_shared>>
      %dma_wait3A_340 = tpu.memref_squeeze %dma_wait3A_339 : memref<1x2048xf32, #tpu.memory_space<vmem_shared>> -> memref<2048xf32, #tpu.memory_space<vmem_shared>>
      %dma_wait3A_341 = arith.constant 0 : i32
      %dma_wait3A_342 = arith.constant 0 : i32
      %dma_wait3A_343 = tpu.memref_slice %arg13[%dma_wait3A_332, %dma_wait3A_341, %dma_wait3A_342] : memref<16x8x2048xf32, #tpu.memory_space<vmem_shared>> -> memref<1x8x2048xf32, #tpu.memory_space<vmem_shared>>
      %dma_wait3A_344 = tpu.memref_squeeze %dma_wait3A_343 : memref<1x8x2048xf32, #tpu.memory_space<vmem_shared>> -> memref<8x2048xf32, #tpu.memory_space<vmem_shared>>
      %dma_wait3A_345 = arith.constant 0 : i32
      %dma_wait3A_346 = tpu.memref_slice %dma_wait3A_344[%dma_wait3A_333, %dma_wait3A_345] : memref<8x2048xf32, #tpu.memory_space<vmem_shared>> -> memref<1x2048xf32, #tpu.memory_space<vmem_shared>>
      %dma_wait3A_347 = tpu.memref_squeeze %dma_wait3A_346 : memref<1x2048xf32, #tpu.memory_space<vmem_shared>> -> memref<2048xf32, #tpu.memory_space<vmem_shared>>
      tpu.wait_dma2 semaphore(%arg16 : memref<!tpu.dma_semaphore, #tpu.memory_space<semaphore_mem>>) src(%dma_wait3A_347 : memref<2048xf32, #tpu.memory_space<vmem_shared>>) dst(%arg11 : memref<2048xf32, #tpu.memory_space<vmem>>)
      %scan3A_348 = arith.constant 0 : i32
      %scan3A_349 = arith.constant 0 : i32
      %scan3A_350 = arith.constant 125 : i32
      %scan3A_351 = arith.addi %scan3A_349, %scan3A_350 : i32
      %scan3A_352 = arith.constant 1 : i32
      scf.for %scan3A_403 = %scan3A_349 to %scan3A_351 step %scan3A_352  : i32 {
        %mul3A_404 = arith.constant 16 : i32
        %mul3A_405 = arith.muli %scan3A_403, %mul3A_404 : i32
        %get3A = arith.index_cast %mul3A_405 : i32 to index
        %get3A_406 = tpu.vector_load %arg10[%get3A] {strides = array<i32>} : memref<2048xf32, #tpu.memory_space<vmem>>, vector<16xf32>,
        %get3A_407 = arith.index_cast %mul3A_405 : i32 to index
        %get3A_408 = tpu.vector_load %arg11[%get3A_407] {strides = array<i32>} : memref<2048xf32, #tpu.memory_space<vmem>>, vector<16xf32>,
        %add3A_409 = arith.addf %get3A_406, %get3A_408 : vector<16xf32>
        %get3A_410 = arith.index_cast %mul3A_405 : i32 to index
        %get3A_411 = tpu.vector_load %arg12[%get3A_410] {strides = array<i32>} : memref<2000xf32, #tpu.memory_space<vmem>>, vector<16xf32>,
        %add3A_412 = arith.addf %add3A_409, %get3A_411 : vector<16xf32>
        %swap3A = arith.index_cast %mul3A_405 : i32 to index
        %swap3A_413 = tpu.vector_load %arg12[%swap3A] {strides = array<i32>} : memref<2000xf32, #tpu.memory_space<vmem>>, vector<16xf32>,
        tpu.vector_store %arg12[%swap3A], %add3A_412 {strides = array<i32>} : memref<2000xf32, #tpu.memory_space<vmem>>, vector<16xf32>,
      }
      %scan3A_353 = arith.constant 125 : i32
      %dma_wait3A_354 = arith.constant 0 : i32
      %dma_wait3A_355 = arith.constant 0 : i32
      %dma_wait3A_356 = arith.constant 0 : i32
      %dma_wait3A_357 = arith.constant 0 : i32
      %dma_wait3A_358 = tpu.memref_slice %arg13[%dma_wait3A_354, %dma_wait3A_356, %dma_wait3A_357] : memref<16x8x2048xf32, #tpu.memory_space<vmem_shared>> -> memref<1x8x2048xf32, #tpu.memory_space<vmem_shared>>
      %dma_wait3A_359 = tpu.memref_squeeze %dma_wait3A_358 : memref<1x8x2048xf32, #tpu.memory_space<vmem_shared>> -> memref<8x2048xf32, #tpu.memory_space<vmem_shared>>
      %dma_wait3A_360 = arith.constant 0 : i32
      %dma_wait3A_361 = tpu.memref_slice %dma_wait3A_359[%dma_wait3A_355, %dma_wait3A_360] : memref<8x2048xf32, #tpu.memory_space<vmem_shared>> -> memref<1x2048xf32, #tpu.memory_space<vmem_shared>>
      %dma_wait3A_362 = tpu.memref_squeeze %dma_wait3A_361 : memref<1x2048xf32, #tpu.memory_space<vmem_shared>> -> memref<2048xf32, #tpu.memory_space<vmem_shared>>
      %dma_wait3A_363 = arith.constant 0 : i32
      %dma_wait3A_364 = arith.constant 0 : i32
      %dma_wait3A_365 = tpu.memref_slice %arg13[%dma_wait3A_354, %dma_wait3A_363, %dma_wait3A_364] : memref<16x8x2048xf32, #tpu.memory_space<vmem_shared>> -> memref<1x8x2048xf32, #tpu.memory_space<vmem_shared>>
      %dma_wait3A_366 = tpu.memref_squeeze %dma_wait3A_365 : memref<1x8x2048xf32, #tpu.memory_space<vmem_shared>> -> memref<8x2048xf32, #tpu.memory_space<vmem_shared>>
      %dma_wait3A_367 = arith.constant 0 : i32
      %dma_wait3A_368 = tpu.memref_slice %dma_wait3A_366[%dma_wait3A_355, %dma_wait3A_367] : memref<8x2048xf32, #tpu.memory_space<vmem_shared>> -> memref<1x2048xf32, #tpu.memory_space<vmem_shared>>
      %dma_wait3A_369 = tpu.memref_squeeze %dma_wait3A_368 : memref<1x2048xf32, #tpu.memory_space<vmem_shared>> -> memref<2048xf32, #tpu.memory_space<vmem_shared>>
      tpu.wait_dma2 semaphore(%arg17 : memref<!tpu.dma_semaphore, #tpu.memory_space<semaphore_mem>>) src(%dma_wait3A_369 : memref<2048xf32, #tpu.memory_space<vmem_shared>>) dst(%arg8 : memref<2048xf32, #tpu.memory_space<vmem>>)
      %dma_wait3A_370 = arith.constant 0 : i32
      %dma_wait3A_371 = arith.constant 0 : i32
      %dma_wait3A_372 = arith.constant 0 : i32
      %dma_wait3A_373 = arith.constant 0 : i32
      %dma_wait3A_374 = tpu.memref_slice %arg13[%dma_wait3A_370, %dma_wait3A_372, %dma_wait3A_373] : memref<16x8x2048xf32, #tpu.memory_space<vmem_shared>> -> memref<1x8x2048xf32, #tpu.memory_space<vmem_shared>>
      %dma_wait3A_375 = tpu.memref_squeeze %dma_wait3A_374 : memref<1x8x2048xf32, #tpu.memory_space<vmem_shared>> -> memref<8x2048xf32, #tpu.memory_space<vmem_shared>>
      %dma_wait3A_376 = arith.constant 0 : i32
      %dma_wait3A_377 = tpu.memref_slice %dma_wait3A_375[%dma_wait3A_371, %dma_wait3A_376] : memref<8x2048xf32, #tpu.memory_space<vmem_shared>> -> memref<1x2048xf32, #tpu.memory_space<vmem_shared>>
      %dma_wait3A_378 = tpu.memref_squeeze %dma_wait3A_377 : memref<1x2048xf32, #tpu.memory_space<vmem_shared>> -> memref<2048xf32, #tpu.memory_space<vmem_shared>>
      %dma_wait3A_379 = arith.constant 0 : i32
      %dma_wait3A_380 = arith.constant 0 : i32
      %dma_wait3A_381 = tpu.memref_slice %arg13[%dma_wait3A_370, %dma_wait3A_379, %dma_wait3A_380] : memref<16x8x2048xf32, #tpu.memory_space<vmem_shared>> -> memref<1x8x2048xf32, #tpu.memory_space<vmem_shared>>
      %dma_wait3A_382 = tpu.memref_squeeze %dma_wait3A_381 : memref<1x8x2048xf32, #tpu.memory_space<vmem_shared>> -> memref<8x2048xf32, #tpu.memory_space<vmem_shared>>
      %dma_wait3A_383 = arith.constant 0 : i32
      %dma_wait3A_384 = tpu.memref_slice %dma_wait3A_382[%dma_wait3A_371, %dma_wait3A_383] : memref<8x2048xf32, #tpu.memory_space<vmem_shared>> -> memref<1x2048xf32, #tpu.memory_space<vmem_shared>>
      %dma_wait3A_385 = tpu.memref_squeeze %dma_wait3A_384 : memref<1x2048xf32, #tpu.memory_space<vmem_shared>> -> memref<2048xf32, #tpu.memory_space<vmem_shared>>
      tpu.wait_dma2 semaphore(%arg17 : memref<!tpu.dma_semaphore, #tpu.memory_space<semaphore_mem>>) src(%dma_wait3A_385 : memref<2048xf32, #tpu.memory_space<vmem_shared>>) dst(%arg9 : memref<2048xf32, #tpu.memory_space<vmem>>)
      %scan3A_386 = arith.constant 0 : i32
      %scan3A_387 = arith.constant 0 : i32
      %scan3A_388 = arith.constant 125 : i32
      %scan3A_389 = arith.addi %scan3A_387, %scan3A_388 : i32
      %scan3A_390 = arith.constant 1 : i32
      scf.for %scan3A_403 = %scan3A_387 to %scan3A_389 step %scan3A_390  : i32 {
        %mul3A_404 = arith.constant 16 : i32
        %mul3A_405 = arith.muli %scan3A_403, %mul3A_404 : i32
        %get3A = arith.index_cast %mul3A_405 : i32 to index
        %get3A_406 = tpu.vector_load %arg8[%get3A] {strides = array<i32>} : memref<2048xf32, #tpu.memory_space<vmem>>, vector<16xf32>,
        %get3A_407 = arith.index_cast %mul3A_405 : i32 to index
        %get3A_408 = tpu.vector_load %arg9[%get3A_407] {strides = array<i32>} : memref<2048xf32, #tpu.memory_space<vmem>>, vector<16xf32>,
        %add3A_409 = arith.addf %get3A_406, %get3A_408 : vector<16xf32>
        %get3A_410 = arith.index_cast %mul3A_405 : i32 to index
        %get3A_411 = tpu.vector_load %arg12[%get3A_410] {strides = array<i32>} : memref<2000xf32, #tpu.memory_space<vmem>>, vector<16xf32>,
        %add3A_412 = arith.addf %add3A_409, %get3A_411 : vector<16xf32>
        %swap3A = arith.index_cast %mul3A_405 : i32 to index
        %swap3A_413 = tpu.vector_load %arg12[%swap3A] {strides = array<i32>} : memref<2000xf32, #tpu.memory_space<vmem>>, vector<16xf32>,
        tpu.vector_store %arg12[%swap3A], %add3A_412 {strides = array<i32>} : memref<2000xf32, #tpu.memory_space<vmem>>, vector<16xf32>,
      }
      %scan3A_391 = arith.constant 125 : i32
      %scan3A_392 = arith.constant 0 : i32
      %scan3A_393 = arith.constant 0 : i32
      %scan3A_394 = arith.constant 125 : i32
      %scan3A_395 = arith.addi %scan3A_393, %scan3A_394 : i32
      %scan3A_396 = arith.constant 1 : i32
      scf.for %scan3A_403 = %scan3A_393 to %scan3A_395 step %scan3A_396  : i32 {
        %mul3A_404 = arith.constant 16 : i32
        %mul3A_405 = arith.muli %scan3A_403, %mul3A_404 : i32
        %get3A = arith.index_cast %mul3A_405 : i32 to index
        %get3A_406 = tpu.vector_load %arg12[%get3A] {strides = array<i32>} : memref<2000xf32, #tpu.memory_space<vmem>>, vector<16xf32>,
        %neg3A = arith.constant 0.000000e+00 : f32
        %neg3A_407 = vector.broadcast %neg3A : f32 to vector<16xf32>
        %neg3A_408 = arith.subf %neg3A_407, %get3A_406 : vector<16xf32>
        %exp3A = math.exp %neg3A_408 : vector<16xf32>
        %add3A_409 = arith.constant 1.000000e+00 : f32
        %add3A_410 = vector.broadcast %add3A_409 : f32 to vector<16xf32>
        %add3A_411 = arith.addf %add3A_410, %exp3A : vector<16xf32>
        %div3A_412 = arith.constant 1.000000e+00 : f32
        %div3A_413 = vector.broadcast %div3A_412 : f32 to vector<16xf32>
        %div3A_414 = arith.divf %div3A_413, %add3A_411 : vector<16xf32>
        %swap3A = arith.index_cast %mul3A_405 : i32 to index
        %swap3A_415 = tpu.vector_load %arg12[%swap3A] {strides = array<i32>} : memref<2000xf32, #tpu.memory_space<vmem>>, vector<16xf32>,
        tpu.vector_store %arg12[%swap3A], %div3A_414 {strides = array<i32>} : memref<2000xf32, #tpu.memory_space<vmem>>, vector<16xf32>,
      }
      %scan3A_397 = arith.constant 125 : i32
      %mul3A_398 = arith.constant 2000 : i32
      %mul3A_399 = arith.muli %select_n3A_28, %mul3A_398 : i32
      %add3A_400 = arith.addi %add3A_44, %mul3A_399 : i32
      %multiple_of3A_401 = tpu.assume_multiple %add3A_400, 8 : i32
      "tpu.region"() ({
        %run_scoped3A = tpu.sem_alloc : memref<!tpu.dma_semaphore, #tpu.memory_space<semaphore_mem>>
        %dma_start3A_403 = tpu.memref_slice %arg4[%multiple_of3A_401] : memref<320000xf32, #tpu.memory_space<hbm>> -> memref<2000xf32, #tpu.memory_space<hbm>>
        %dma_start3A_404 = tpu.memref_slice %arg4[%multiple_of3A_401] : memref<320000xf32, #tpu.memory_space<hbm>> -> memref<2000xf32, #tpu.memory_space<hbm>>
        tpu.enqueue_dma source(%arg12 : memref<2000xf32, #tpu.memory_space<vmem>>) target(%dma_start3A_404 : memref<2000xf32, #tpu.memory_space<hbm>>) target_semaphore(%run_scoped3A : memref<!tpu.dma_semaphore, #tpu.memory_space<semaphore_mem>>)
        %dma_wait3A_405 = tpu.memref_slice %arg4[%multiple_of3A_401] : memref<320000xf32, #tpu.memory_space<hbm>> -> memref<2000xf32, #tpu.memory_space<hbm>>
        %dma_wait3A_406 = tpu.memref_slice %arg4[%multiple_of3A_401] : memref<320000xf32, #tpu.memory_space<hbm>> -> memref<2000xf32, #tpu.memory_space<hbm>>
        tpu.wait_dma2 semaphore(%run_scoped3A : memref<!tpu.dma_semaphore, #tpu.memory_space<semaphore_mem>>) src(%arg12 : memref<2000xf32, #tpu.memory_space<vmem>>) dst(%dma_wait3A_406 : memref<2000xf32, #tpu.memory_space<hbm>>)
        tpu.yield
      }) : () -> ()
      %barrier3A_402 = arith.constant 0 : index
      tpu.barrier barrier_id(%barrier3A_402)
    }
    %scan3A_40 = arith.constant 5 : i32
    return
  }
}

</mosaic_0001>

<sc_bundles>
// kernel: kernel.3.cloned.1.call-start
scs
__scs_entry_jumppad:
0x0: {  	(pc) =	sbr.rel $0x88, $3  }
0x1: {  	(tag) =	ssettag $0x0;
	lr =	simm.s32 $0x1  }
0x2: {  	[smem:$0x3F9E] =	sst lr;
	_ =	strace $0xD0000000  }
0x3: {  	_ = 	snop  }
0x4: {  	_ = 	snop  }
0x5: {  	_ = 	snop  }
0x6: {  	_ = 	snop  }
0x7: {  	_ = 	snop  }
__scs_overlays_trampoline_lowered:
0x8: {  	[smem:$0x3FAD] =	sst s0  }
0x9: {  	[smem:$0x3FAE] =	sst s1  }
0xa: {  	[smem:$0x3FAF] =	sst s2  }
0xb: {  	[smem:$0x3FB0] =	sst s3  }
0xc: {  	[smem:$0x3FB1] =	sst s4  }
0xd: {  	[smem:$0x3FB2] =	sst s5  }
0xe: {  	[smem:$0x3FB3] =	sst s6  }
0xf: {  	[smem:$0x3FB4] =	sst s7  }
0x10: {  	[smem:$0x3FB5] =	sst s8  }
0x11: {  	[smem:$0x3FB6] =	sst s9;
	s0 =	simm.s32 @!p0 $0x0  }
0x12: {  	s1 =	sld [smem:$0x3F9C];
	s0 =	simm.s32 @p0 $0x1  }
0x13: {  	[smem:$0x3FB7] =	sst s0;
	s0 =	simm.s32 @!p1 $0x0  }
0x14: {  	s2 =	sld [smem:$0x3F9B];
	s0 =	simm.s32 @p1 $0x1  }
0x15: {  	[smem:$0x3FB8] =	sst s0;
	s0 =	simm.s32 @!p2 $0x0  }
0x16: {  	s3 =	sld [smem:$0x3FDB];
	s0 =	simm.s32 @p2 $0x1  }
0x17: {  	s4 =	simm.s32 $0x1BF5;
	[smem:$0x3FBA] =	sst s0  }
0x18: {  	s0 =	sld [smem:$0x3F9D];
	_ =	swait.ge [sflag:s4], $0x0  }
0x19: {  	s7 =	sld [smem:$0x3F9E]  }
0x1a: {  	s8 =	sadd.s32 $0xFFFFE003, lr  }
0x1b: {  	s9 =	sadd.s32 $0xFFFFFEF7, lr;
	s5 =	simm.s32 $0xFFFFFFFF;
	p2 =	slt.u32 s8, $0xFFFFF086  }
0x1c: {  	p1 =	slt.u32 s9, $0xF7A;
	s5 =	simm.s32 @!p2 $0x0  }
0x1d: {  	s5 =	simm.s32 @p1 $0x1;
	p0 =	seq.s32 s7, s2  }
0x1e: {  	s7 =	smul.u32 @!p0 $0xF7A, s2;
	p2 =	seq.s32 @!p0 s5, $0x0  }
0x1f: {  	s9 =	smul.u32 $0xF7A, s1;
	s8 =	simm.s32 @!p0 $0x1BF5;
	p2 =	por !p2, p0  }
0x20: {  	[sflag:s8] =	ssyncset.s32 @!p0 $0xFFFFF086;
	s6 =	sadd.s32 @!p0 s3, s7;
	s7 =	simm.s32 @!p0 $0x108  }
0x21: {  	s3 =	sadd.s32 s3, s9;
	s6 =	sadd.s32 @!p0 $0x88, s6;
	s7 =	simm.s32 @p2 $0x1082  }
0x22: {  	[simem:s7], [sflag:s8] =	dma.local @!p0 [hbm:s6], $0xF7A  }
0x23: {  	s9 =	sor.u32 $0xD0000000, s2;
	s6 =	simm.s32 $0x108;
	_ =	swait.ge @!p0 [sflag:s8], $0x0  }
0x24: {  	s3 =	sadd.s32 $0x88, s3;
	s6 =	simm.s32 @!p1 $0x1082;
	[sflag:s4] =	ssyncset.s32 $0xFFFFF086  }
0x25: {  	[simem:s6], [sflag:s4] =	dma.local [hbm:s3], $0xF7A  }
0x26: {  	[smem:$0x3F9E] =	sst s1;
	(tag) =	ssettag s2;
	_ =	strace s9  }
0x27: {  	s1 =	sld [smem:$0x3FAE]  }
0x28: {  	s2 =	sld [smem:$0x3FAF]  }
0x29: {  	s4 =	sld [smem:$0x3FB1]  }
0x2a: {  	p0 =	seq.s32 s5, $0x0;
	s5 =	sld [smem:$0x3FB2]  }
0x2b: {  	s6 =	sld [smem:$0x3FB3]  }
0x2c: {  	s7 =	sld [smem:$0x3FB4]  }
0x2d: {  	s3 =	simm.s32 $0x108;
	s8 =	sld [smem:$0x3FB5]  }
0x2e: {  	s3 =	simm.s32 @!p0 $0x1082;
	s9 =	sld [smem:$0x3FB6]  }
0x2f: {  	lr =	sadd.s32 s0, s3;
	s0 =	sld [smem:$0x3FAD]  }
0x30: {  	s3 =	sld [smem:$0x3FB0]  }
0x31: {  	[smem:$0x3FB9] =	sst s10  }
0x32: {  	s10 =	sld [smem:$0x3FB7];
	_ =	sdelay $0x3  }
0x33: {  	p0 =	seq.s32 s10, $0x1;
	s10 =	sld [smem:$0x3FB9];
	_ =	sdelay $0x3  }
0x34: {  	[smem:$0x3FB9] =	sst s10  }
0x35: {  	s10 =	sld [smem:$0x3FB8];
	_ =	sdelay $0x3  }
0x36: {  	p1 =	seq.s32 s10, $0x1;
	s10 =	sld [smem:$0x3FB9];
	_ =	sdelay $0x3  }
0x37: {  	[smem:$0x3FB9] =	sst s10  }
0x38: {  	s10 =	sld [smem:$0x3FBA]  }
0x39: {  	_ = 	snop;
	(pc) =	sbr.ind lr, $3  }
0x3a: {  	_ = 	snop  }
0x3b: {  	_ = 	snop  }
0x3c: {  	p2 =	seq.s32 s10, $0x1;
	s10 =	sld [smem:$0x3FB9]  }
0x3d: {  	_ =	shalt  }
0x3e: {  	_ =	shalt  }
0x3f: {  	_ =	shalt  }
0x40: {  	_ =	shalt  }
0x41: {  	_ =	shalt  }
0x42: {  	_ =	shalt  }
0x43: {  	_ =	shalt  }
0x44: {  	_ =	shalt  }
0x45: {  	_ =	shalt  }
0x46: {  	_ =	shalt  }
0x47: {  	_ =	shalt  }
0x48: {  	_ =	shalt  }
0x49: {  	_ =	shalt  }
0x4a: {  	_ =	shalt  }
0x4b: {  	_ =	shalt  }
0x4c: {  	_ =	shalt  }
0x4d: {  	_ =	shalt  }
0x4e: {  	_ =	shalt  }
0x4f: {  	_ =	shalt  }
0x50: {  	_ =	shalt  }
0x51: {  	_ =	shalt  }
0x52: {  	_ =	shalt  }
0x53: {  	_ =	shalt  }
0x54: {  	_ =	shalt  }
0x55: {  	_ =	shalt  }
0x56: {  	_ =	shalt  }
0x57: {  	_ =	shalt  }
0x58: {  	_ =	shalt  }
0x59: {  	_ =	shalt  }
0x5a: {  	_ =	shalt  }
0x5b: {  	_ =	shalt  }
0x5c: {  	_ =	shalt  }
0x5d: {  	_ =	shalt  }
0x5e: {  	_ =	shalt  }
0x5f: {  	_ =	shalt  }
0x60: {  	_ =	shalt  }
0x61: {  	_ =	shalt  }
0x62: {  	_ =	shalt  }
0x63: {  	_ =	shalt  }
0x64: {  	_ =	shalt  }
0x65: {  	_ =	shalt  }
0x66: {  	_ =	shalt  }
0x67: {  	_ =	shalt  }
0x68: {  	_ =	shalt  }
0x69: {  	_ =	shalt  }
0x6a: {  	_ =	shalt  }
0x6b: {  	_ =	shalt  }
0x6c: {  	_ =	shalt  }
0x6d: {  	_ =	shalt  }
0x6e: {  	_ =	shalt  }
0x6f: {  	_ =	shalt  }
0x70: {  	_ =	shalt  }
0x71: {  	_ =	shalt  }
0x72: {  	_ =	shalt  }
0x73: {  	_ =	shalt  }
0x74: {  	_ =	shalt  }
0x75: {  	_ =	shalt  }
0x76: {  	_ =	shalt  }
0x77: {  	_ =	shalt  }
0x78: {  	_ =	shalt  }
0x79: {  	_ =	shalt  }
0x7a: {  	_ =	shalt  }
0x7b: {  	_ =	shalt  }
0x7c: {  	_ =	shalt  }
0x7d: {  	_ =	shalt  }
0x7e: {  	_ =	shalt  }
0x7f: {  	_ =	shalt  }
0x80: {  	_ =	shalt  }
0x81: {  	_ =	shalt  }
0x82: {  	_ =	shalt  }
0x83: {  	_ =	shalt  }
0x84: {  	_ =	shalt  }
0x85: {  	_ =	shalt  }
0x86: {  	_ =	shalt  }
0x87: {  	_ =	shalt  }
.Lfunc_end0:
.L_simem_size_0:
called_computation_lowered:
.L_overlay_start_0:
0x88: {  	s2 =	sld [smem:$0x3FD9]  }
0x89: {  	s3 =	sld [smem:$0x3FFE];
	_ =	sdelay $0x1  }
0x8a: {  	s1 =	srdreg.scid  }
0x8b: {  	s0 =	sand.u32 $0x1, s1  }
0x8c: {  	s17 =	sshll.u32 s0, $0xA;
	s2 =	sadd.s32 s3, s2  }
0x8d: {  	s2 =	sadd.s32 s2, s17  }
0x8e: {  	[smem:$0x3FC5] =	sst s2  }
0x8f: {  	_ = 	snop  }
0x90: {  	s2 =	sld [smem:$0x3FD0];
	(tm) =	ssettm $0x1  }
0x91: {  	s18 =	sld [smem:$0x3FFB];
	_ =	sdelay $0x3  }
0x92: {  	_ =	strace s18  }
0x93: {  	s3 =	sld [smem:$0x3FFC];
	_ =	sdelay $0x3  }
0x94: {  	_ =	strace s3  }
0x95: {  	s3 =	sld [smem:$0x3FFD];
	_ =	sdelay $0x3  }
0x96: {  	_ =	strace s3  }
0x97: {  	_ =	strace $0x8FFFFFFF  }
0x98: {  	s19 =	sld [smem:$0x3FDB];
	_ =	sdelay $0x1  }
0x99: {  	s4 =	simm.s32 $_scs_section_size  }
0x9a: {  	s5 =	simm.s32 $_size__tile_overlayer_lowered;
	s6 =	simm.s32 $_tile_overlayer_lowered  }
0x9b: {  	s22 =	simm.s32 $0x1BFF;
	s21 =	sshll.u32 s6, $0x1;
	s3 =	sadd.s32 s4, s19  }
0x9c: {  	s7 =	simm.s32 $0x0;
	s20 =	sshll.u32 s5, $0x1;
	s5 =	sadd.s32 s21, s3  }
0x9d: {  	[timem:s7], [sflag:s22] =	dma.local [hbm:s5], s20  }
0x9e: {  	_ =	swait.ge [sflag:s22], s20  }
0x9f: {  	s4 =	ssub.s32 $0x0, s20;
	[sflag:s22] =	ssyncset.done $0x0  }
0xa0: {  	[sflag:s22] =	ssyncadd.s32 s4;
	_ =	sdelay $0x1  }
0xa1: {  	s23 =	simm.s32 $0x1B8B  }
0xa2: {  	_ =	swait.ge [sflag:s23], $0x1  }
0xa3: {  	[sflag:s23] =	ssyncset.done $0x0  }
0xa4: {  	s25 =	simm.s32 $0x1B8E;
	s24 =	sld [smem:$0x3FFE];
	[sflag:s23] =	ssyncadd.s32 $0xFFFFFFFF  }
0xa5: {  	s26 =	simm.s32 $execute0_lowered;
	[smem:$0x3FD2] =	sst s25  }
0xa6: {  	s5 =	sshll.u32 s26, $0x1;
	_ =	strace $0x80000046;
	[dreg:$0x1] =	wrdreg $0xFFFFFFFF  }
0xa7: {  	s28 =	simm.s32 $_size_execute0_lowered;
	s3 =	sadd.s32 s3, s5;
	[dreg:$0x0] =	wrdreg $0x0  }
0xa8: {  	s5 =	sshll.u32 s28, $0x1;
	[dreg:$0x2] =	wrdreg s3  }
0xa9: {  	[dreg:$0x3] =	wrdreg s5  }
0xaa: {  	[dreg:$0x4] =	wrdreg $0xC0  }
0xab: {  	_ =	task [dreg:s7], $0x5FFFF  }
0xac: {  	[dreg:$0x1] =	wrdreg $0xFFFFFFFF  }
0xad: {  	[dreg:$0x0] =	wrdreg $0x60  }
0xae: {  	[dreg:$0x2] =	wrdreg s24  }
0xaf: {  	[dreg:$0x3] =	wrdreg s2  }
0xb0: {  	[dreg:$0x4] =	wrdreg $0x170800  }
0xb1: {  	[dreg:$0x5] =	wrdreg $0x9  }
0xb2: {  	_ =	task.clear_ibuf [dreg:s7], $0x6FFFF;
	_ =	strace $0x90000046  }
0xb3: {  	s29 =	simm.s32 $0x9;
	_ =	strace $0x80000048  }
0xb4: {  	_ =	swait.ge [sflag:s29], $0x1  }
0xb5: {  	[sflag:s29] =	ssyncadd.s32 $0xFFFFFFFF  }
0xb6: {  	_ =	strace $0x90000048  }
0xb7: {  	_ =	sfence  }
0xb8: {  	s30 =	sld [smem:$0x0];
	_ =	sdelay $0x2  }
0xb9: {  	s31 =	sshll.u32 s1, $0xD;
	s1 =	sshrl.u32 s1, $0x2  }
0xba: {  	s3 =	sand.u32 $0x4000, s31;
	s1 =	sadd.s32 s1, s30  }
0xbb: {  	s0 =	sor.u32 s3, s0;
	s1 =	sshll.u32 s1, $0x11  }
0xbc: {  	s0 =	sor.u32 s1, s0  }
0xbd: {  	s0 =	sadd.s32 $0x8F2B, s0  }
0xbe: {  	[sflag:s0] =	ssyncadd.remote.s32 $0x1  }
0xbf: {  	_ =	sfence.sel $0xFFFF  }
0xc0: {  	[dreg:$0x0] =	wrdreg $0xFFFFFFFF;
	(pc) =	sbr.abs _section_cstart, $3  }
0xc1: {  	[dreg:$0x1] =	wrdreg $0xFFFFFFFF  }
0xc2: {  	_ =	task.clear_ibuf [dreg:s7], $0x2FFFF;
	_ =	strace $0x9FFFFFFF  }
0xc3: {  	(tm) =	ssettm $0x7FFFFFFF  }
tec
execute0_lowered:
.L_overlay_start_1:
0x0: {  	(tag) =	ssettag $0x1  }
0x1: {  	s0 =	rddreg [dreg:$0x0];
	s11 =	stileid.u32  }
0x2: {  	s1 =	rddreg [dreg:$0x2];
	s3 =	srdreg.scid  }
0x3: {  	s28 =	simm.s32 $0x16080;
	s29 =	simm.s32 $0x14880;
	s30 =	simm.s32 $0x3  }
0x4: {  	s31 =	simm.s32 $0x4;
	s2 =	sand.u32 $0x7, s11;
	s5 =	sand.u32 $0x1, s3  }
0x5: {  	s3 =	simm.s32 $0x0;
	s6 =	sshrl.u32 s11, $0x3;
	s4 =	smul.u32 $0x2710, s2  }
0x6: {  	s23 =	sshll.u32 s11, $0xE;
	s7 =	smul.u32 $0x27100, s5;
	[smem:$0x7FF] =	sst s3  }
0x7: {  	s8 =	smul.u32 $0x13880, s6;
	s5 =	ssub.s32 $0x2, s5;
	s22 =	sshll.u32 s6, $0x11  }
0x8: {  	s24 =	sshll.u32 s2, $0x7;
	s26 =	smul.u32 $0x7D0, s2;
	_ =	strace $0x80000047  }
0x9: {  	s10 =	sshrl.u32 s5, $0x1;
	s9 =	sadd.s32 s4, s0;
	s17 =	sadd.s32 s7, s8  }
0xa: {  	s4 =	sadd.s32 $0x13E00, s0;
	s19 =	ssub.s32 s5, s10;
	s8 =	sadd.s32 s23, s1  }
0xb: {  	s23 =	simm.s32 $0x400;
	s20 =	sshrl.u32 s17, $0x3;
	s21 =	sadd.s32 $0x400, s9  }
0xc: {  	s7 =	sadd.s32 $0x7D0, s17;
	s17 =	sadd.s32 s26, s17;
	s0 =	smax.u32 s19, $0x1  }
0xd: {  	s19 =	simm.s32 $0x5;
	s26 =	simm.s32 $0x15880;
	[dreg:$0x4] =	wrdreg s21  }
0xe: {  	s5 =	sadd.s32 s4, s20;
	[dreg:$0x7] =	wrdreg s0;
	s21 =	simm.s32 $0x1  }
0xf: {  	[dreg:$0x5] =	wrdreg s5;
	s5 =	sadd.s32 s22, s1;
	s22 =	simm.s32 $0x80  }
0x10: {  	s1 =	simm.s32 $0x0;
	s9 =	sadd.s32 s24, s5;
	s24 =	simm.s32 $0x15080  }
0x11: {  	s25 =	sadd.s32 $0x4000, s9;
	s11 =	sadd.s32 $0x8000, s9;
	s12 =	sadd.s32 $0xC000, s9  }
0x12: {  	s13 =	sadd.s32 $0x10000, s9;
	s14 =	sadd.s32 $0x14000, s9;
	s15 =	sadd.s32 $0x18000, s9  }
0x13: {  	s16 =	sadd.s32 $0x1C000, s9;
	[dreg:$0x6] =	wrdreg s25;
	s25 =	simm.s32 $0x2  }
.LBB2_1:
0x14: {  	[dreg:$0x8] =	wrdreg s1  }
0x15: {  	s0 =	rddreg [dreg:$0x4]  }
0x16: {  	[tilespmem:s3], [sflag:$0x5] =	stream.linear.gather [hbm4b:s0+s3], $0x13880, $0x38;
	[tilespmem:$0x1B080] =	vst v63  }
0x17: {  	_ =	swait.ge [sflag:s19], $0x13880  }
0x18: {  	[sflag:s19] =	ssyncset.done $0x0  }
0x19: {  	s20 =	simm.s32 $0x13880;
	s18 =	rddreg [dreg:$0x5];
	[sflag:s19] =	ssyncadd.s32 $0xFFFEC780  }
0x1a: {  	[tilespmem:s20], [sflag:$0x1] =	stream.linear.gather [hbm4b:s18+s3], $0x7D0, $0x38;
	[tilespmem:$0x1B080] =	vst v63  }
0x1b: {  	s20 =	simm.s32 $0x0  }
.LBB2_2:
.Ltmp0:
0x1c: {  	(pc) =	sbr.rel .LBB2_3-.Ltmp0, $2  }
0x1d: {  	_ =	sdelay $0x2  }
0x1e: {  	s5 =	sshll.u32 s20, $0x3;
	s6 =	simm.s32 $0x0  }
.LBB2_9:
0x1f: {  	_ =	sdelay $0x3  }
0x20: {  	v6 =	vld.idx.msk [tilespmem:v6+s3+$0x0], $0xffff;
	v11 =	vadd.s32 $0x9C40, v0  }
0x21: {  	v9 =	vld.idx.msk [tilespmem:v9+s3+$0x0], $0xffff;
	v12 =	vadd.s32 $0xC350, v1  }
0x22: {  	v10 =	vld.idx.msk [tilespmem:v10+s3+$0x0], $0xffff;
	v13 =	vadd.s32 $0xC350, v0  }
0x23: {  	v7 =	vld.idx.msk [tilespmem:v7+s3+$0x0], $0xffff;
	v14 =	vadd.s32 $0xEA60, v1  }
0x24: {  	v8 =	vld.idx.msk [tilespmem:v8+s3+$0x0], $0xffff;
	v15 =	vadd.s32 $0xEA60, v0  }
0x25: {  	v47 =	vadd.s32 $0x11170, v1;
	v11 =	vld.idx.msk [tilespmem:v11+s3+$0x0], $0xffff  }
0x26: {  	v48 =	vadd.s32 $0x11170, v0;
	v12 =	vld.idx.msk [tilespmem:v12+s3+$0x0], $0xffff  }
0x27: {  	v13 =	vld.idx.msk [tilespmem:v13+s3+$0x0], $0xffff  }
0x28: {  	v3 =	vmul.bf16 v3, v4;
	v49 =	vld.idx.msk [tilespmem:v14+s3+$0x0], $0xffff  }
0x29: {  	v2 =	vmul.bf16 v2, v5;
	v50 =	vld.idx.msk [tilespmem:v15+s3+$0x0], $0xffff  }
0x2a: {  	v51 =	vunpack.i.u.bf16.f32 v3;
	v1 =	vld.idx.msk [tilespmem:v47+s3+$0x0], $0xffff  }
0x2b: {  	v3 =	vunpack.i.l.bf16.f32 v3;
	v53 =	vunpack.i.u.bf16.f32 v2;
	v52 =	vmul.bf16 v6, v9;
	v0 =	vld.idx.msk [tilespmem:v48+s3+$0x0], $0xffff  }
0x2c: {  	v2 =	vunpack.i.l.bf16.f32 v2;
	v3 =	vadd.f32 v3, v51;
	v7 =	vmul.bf16 v10, v7  }
0x2d: {  	v2 =	vadd.f32 v2, v53;
	v54 =	vunpack.i.u.bf16.f32 v52;
	v5 =	vunpack.i.l.bf16.f32 v52  }
0x2e: {  	v55 =	vunpack.i.u.bf16.f32 v7;
	v7 =	vunpack.i.l.bf16.f32 v7;
	v8 =	vmul.bf16 v8, v11  }
0x2f: {  	v5 =	vadd.f32 v5, v54;
	v56 =	vadd.f32 v7, v55;
	v57 =	vmul.bf16 v12, v13  }
0x30: {  	v4 =	vmul.bf16 v49, v50;
	v0 =	vmul.bf16 v1, v0;
	v58 =	vunpack.i.u.bf16.f32 v8  }
0x31: {  	v8 =	vunpack.i.l.bf16.f32 v8;
	v59 =	vunpack.i.u.bf16.f32 v57;
	v7 =	vunpack.i.l.bf16.f32 v57  }
0x32: {  	v61 =	vunpack.i.u.bf16.f32 v4;
	v4 =	vunpack.i.l.bf16.f32 v4;
	v62 =	vunpack.i.u.bf16.f32 v0  }
0x33: {  	v0 =	vunpack.i.l.bf16.f32 v0;
	v60 =	vadd.f32 v8, v58;
	v7 =	vadd.f32 v7, v59  }
0x34: {  	v4 =	vadd.f32 v4, v61;
	v0 =	vadd.f32 v0, v62  }
0x35: {  	v2 =	vadd.f32 v2, v3;
	v63 =	vadd.f32 v56, v5  }
0x36: {  	v1 =	vadd.f32 v7, v60;
	v0 =	vadd.f32 v0, v4;
	_ =	sdelay $0x1  }
0x37: {  	v2 =	vadd.f32 v63, v2;
	v0 =	vadd.f32 v0, v1;
	_ =	sdelay $0x1  }
0x38: {  	s1 =	sshll.u32 s6, $0x7;
	v0 =	vadd.f32 v0, v2  }
0x39: {  	s1 =	sand.u32 $0x3FFFFF80, s1  }
0x3a: {  	s18 =	sadd.s32 s1, s8;
	[tilespmem:s0+$0x15080] =	vst v0  }
0x3b: {  	[spmem:s18] =	stream.strided.scatter [tilespmem:s24], [sflag:$0x2], $0x800, s23, s22, $0x38;
	[tilespmem:$0x1B080] =	vst v63  }
.LBB2_10:
0x3c: {  	s6 =	sadd.s32 $0x1, s6  }
0x3d: {  	p0 =	sne.s32 s6, $0x8  }
.Ltmp1:
0x3e: {  	_ = 	snop;
	(pc) =	sbr.rel @!p0 .LBB2_11-.Ltmp1, $1  }
0x3f: {  	_ =	sdelay $0x3  }
.LBB2_3:
0x40: {  	s0 =	sand.u32 $0x1, s6  }
0x41: {  	p0 =	seq.s32 s0, $0x1  }
.Ltmp2:
0x42: {  	_ = 	snop;
	(pc) =	sbr.rel @p0 .LBB2_7-.Ltmp2, $2  }
0x43: {  	_ =	sdelay $0x2  }
0x44: {  	s18 =	sadd.s32 s5, s6  }
0x45: {  	p0 =	sgt.u32 s18, $0x26  }
0x46: {  	s1 =	smul.u32 @!p0 $0x7D0, s18;
	_ =	sdelay $0x1  }
0x47: {  	_ =	swait.ge [sflag:s21], $0x7D0;
	s1 =	sadd.s32 @!p0 s1, s7  }
0x48: {  	[sflag:s21] =	ssyncset.done $0x0;
	s2 =	simm.s32 @!p0 $0x0;
	s1 =	sshrl.u32 @!p0 s1, $0x3  }
0x49: {  	s10 =	simm.s32 @!p0 $0x14080;
	[sflag:s21] =	ssyncadd.s32 $0xFFFFF830;
	s1 =	sadd.s32 @!p0 s4, s1  }
0x4a: {  	[tilespmem:s10], [sflag:$0x1] =	stream.linear.gather @!p0 [hbm4b:s1+s2], $0x7D0, $0x38;
	[tilespmem:$0x1B080] =	vst v63  }
0x4b: {  	p0 =	slt.u32 s6, $0x2  }
0x4c: {  	s1 =	simm.s32 @!p0 $0x2  }
0x4d: {  	_ =	swait.ge @!p0 [sflag:s1], $0x800  }
0x4e: {  	[sflag:s1] =	ssyncset.done @!p0 $0x0  }
0x4f: {  	s2 =	simm.s32 $0x0;
	[sflag:s1] =	ssyncadd.s32 @!p0 $0xFFFFF800  }
0x50: {  	v0 =	vld [tilespmem:s2+$0x13880];
	_ =	sdelay $0x4  }
0x51: {  	v1 =	vshrl.u32 v0, $0x10  }
0x52: {  	v0 =	vand.u32 $0xFFFF, v0  }
0x53: {  	v2 =	vadd.s32 $0x2710, v1  }
0x54: {  	v5 =	vadd.s32 $0x2710, v0  }
0x55: {  	v6 =	vadd.s32 $0x4E20, v1  }
0x56: {  	v9 =	vadd.s32 $0x4E20, v0;
	v3 =	vld.idx.msk [tilespmem:v1+s3+$0x0], $0xffff  }
0x57: {  	v10 =	vadd.s32 $0x7530, v1;
	v4 =	vld.idx.msk [tilespmem:v0+s3+$0x0], $0xffff  }
0x58: {  	v7 =	vadd.s32 $0x7530, v0;
	v2 =	vld.idx.msk [tilespmem:v2+s3+$0x0], $0xffff  }
0x59: {  	s1 =	simm.s32 $0x40;
	v8 =	vadd.s32 $0x9C40, v1;
	v5 =	vld.idx.msk [tilespmem:v5+s3+$0x0], $0xffff  }
.LBB2_5:
0x5a: {  	p0 =	sne.s32 s1, $0x1F00;
	v6 =	vld.idx.msk [tilespmem:v6+s3+$0x0], $0xffff;
	v11 =	vadd.s32 $0x9C40, v0  }
0x5b: {  	v12 =	vadd.s32 $0xC350, v1;
	v9 =	vld.idx.msk [tilespmem:v9+s3+$0x0], $0xffff  }
0x5c: {  	v13 =	vadd.s32 $0xC350, v0;
	v10 =	vld.idx.msk [tilespmem:v10+s3+$0x0], $0xffff  }
0x5d: {  	v14 =	vadd.s32 $0xEA60, v1;
	v7 =	vld.idx.msk [tilespmem:v7+s3+$0x0], $0xffff  }
0x5e: {  	v15 =	vadd.s32 $0xEA60, v0;
	v8 =	vld.idx.msk [tilespmem:v8+s3+$0x0], $0xffff  }
0x5f: {  	v1 =	vadd.s32 $0x11170, v1;
	v11 =	vld.idx.msk [tilespmem:v11+s3+$0x0], $0xffff  }
0x60: {  	v0 =	vadd.s32 $0x11170, v0;
	v12 =	vld.idx.msk [tilespmem:v12+s3+$0x0], $0xffff  }
0x61: {  	v13 =	vld.idx.msk [tilespmem:v13+s3+$0x0], $0xffff  }
0x62: {  	v3 =	vmul.bf16 v3, v4;
	v4 =	vld.idx.msk [tilespmem:v14+s3+$0x0], $0xffff  }
0x63: {  	v14 =	vld.idx.msk [tilespmem:v15+s3+$0x0], $0xffff  }
0x64: {  	v2 =	vmul.bf16 v2, v5;
	v15 =	vunpack.i.u.bf16.f32 v3;
	v3 =	vunpack.i.l.bf16.f32 v3;
	v1 =	vld.idx.msk [tilespmem:v1+s3+$0x0], $0xffff  }
0x65: {  	v5 =	vmul.bf16 v6, v9;
	v3 =	vadd.f32 v3, v15;
	v0 =	vld.idx.msk [tilespmem:v0+s3+$0x0], $0xffff  }
0x66: {  	v6 =	vunpack.i.u.bf16.f32 v2;
	v2 =	vunpack.i.l.bf16.f32 v2;
	v7 =	vmul.bf16 v10, v7  }
0x67: {  	v2 =	vadd.f32 v2, v6;
	v6 =	vunpack.i.u.bf16.f32 v5;
	v5 =	vunpack.i.l.bf16.f32 v5  }
0x68: {  	v9 =	vunpack.i.u.bf16.f32 v7;
	v7 =	vunpack.i.l.bf16.f32 v7;
	v8 =	vmul.bf16 v8, v11  }
0x69: {  	v5 =	vadd.f32 v5, v6;
	v6 =	vadd.f32 v7, v9;
	v7 =	vmul.bf16 v12, v13  }
0x6a: {  	v9 =	vunpack.i.u.bf16.f32 v8;
	v8 =	vunpack.i.l.bf16.f32 v8;
	v4 =	vmul.bf16 v4, v14  }
0x6b: {  	v10 =	vunpack.i.u.bf16.f32 v7;
	v7 =	vunpack.i.l.bf16.f32 v7;
	v0 =	vmul.bf16 v1, v0  }
0x6c: {  	s10 =	sshra.s32 s1, $0x2;
	v7 =	vadd.f32 v7, v10;
	v1 =	vadd.f32 v8, v9;
	v8 =	vunpack.i.u.bf16.f32 v4  }
0x6d: {  	v4 =	vunpack.i.l.bf16.f32 v4;
	v10 =	vunpack.i.u.bf16.f32 v0;
	v0 =	vunpack.i.l.bf16.f32 v0;
	v9 =	vld [tilespmem:s10+$0x13880]  }
0x6e: {  	v4 =	vadd.f32 v4, v8;
	v0 =	vadd.f32 v0, v10  }
0x6f: {  	v2 =	vadd.f32 v2, v3;
	v3 =	vadd.f32 v6, v5  }
0x70: {  	v5 =	vadd.f32 v7, v1;
	v0 =	vadd.f32 v0, v4;
	_ =	sdelay $0x1  }
0x71: {  	v2 =	vadd.f32 v3, v2;
	v3 =	vadd.f32 v0, v5;
	v1 =	vshrl.u32 v9, $0x10  }
0x72: {  	v0 =	vand.u32 $0xFFFF, v9  }
0x73: {  	v5 =	vadd.s32 $0x2710, v1;
	v2 =	vadd.f32 v3, v2  }
0x74: {  	v8 =	vadd.s32 $0x2710, v0  }
.Ltmp3:
0x75: {  	v6 =	vadd.s32 $0x4E20, v1;
	[tilespmem:s2+$0x14880] =	vst v2;
	s2 =	smov.u32 s10;
	(pc) =	sbr.rel @p0 .LBB2_5-.Ltmp3, $4  }
0x76: {  	v9 =	vadd.s32 $0x4E20, v0;
	v3 =	vld.idx.msk [tilespmem:v1+s3+$0x0], $0xffff  }
0x77: {  	v10 =	vadd.s32 $0x7530, v1;
	v4 =	vld.idx.msk [tilespmem:v0+s3+$0x0], $0xffff  }
0x78: {  	v7 =	vadd.s32 $0x7530, v0;
	v2 =	vld.idx.msk [tilespmem:v5+s3+$0x0], $0xffff  }
0x79: {  	s1 =	sadd.s32 $0x40, s1;
	v5 =	vld.idx.msk [tilespmem:v8+s3+$0x0], $0xffff;
	v8 =	vadd.s32 $0x9C40, v1  }
0x7a: {  	_ =	sdelay $0x3  }
0x7b: {  	v6 =	vld.idx.msk [tilespmem:v6+s3+$0x0], $0xffff;
	v11 =	vadd.s32 $0x9C40, v0  }
0x7c: {  	v9 =	vld.idx.msk [tilespmem:v9+s3+$0x0], $0xffff;
	v12 =	vadd.s32 $0xC350, v1  }
0x7d: {  	v10 =	vld.idx.msk [tilespmem:v10+s3+$0x0], $0xffff;
	v13 =	vadd.s32 $0xC350, v0  }
0x7e: {  	v7 =	vld.idx.msk [tilespmem:v7+s3+$0x0], $0xffff;
	v14 =	vadd.s32 $0xEA60, v1  }
0x7f: {  	v8 =	vld.idx.msk [tilespmem:v8+s3+$0x0], $0xffff;
	v15 =	vadd.s32 $0xEA60, v0  }
0x80: {  	v47 =	vadd.s32 $0x11170, v1;
	v11 =	vld.idx.msk [tilespmem:v11+s3+$0x0], $0xffff  }
0x81: {  	v48 =	vadd.s32 $0x11170, v0;
	v12 =	vld.idx.msk [tilespmem:v12+s3+$0x0], $0xffff  }
0x82: {  	v13 =	vld.idx.msk [tilespmem:v13+s3+$0x0], $0xffff  }
0x83: {  	v3 =	vmul.bf16 v3, v4;
	v49 =	vld.idx.msk [tilespmem:v14+s3+$0x0], $0xffff  }
0x84: {  	v50 =	vld.idx.msk [tilespmem:v15+s3+$0x0], $0xffff  }
0x85: {  	v51 =	vunpack.i.u.bf16.f32 v3;
	v3 =	vunpack.i.l.bf16.f32 v3;
	v2 =	vmul.bf16 v2, v5;
	v1 =	vld.idx.msk [tilespmem:v47+s3+$0x0], $0xffff  }
0x86: {  	v3 =	vadd.f32 v3, v51;
	v52 =	vmul.bf16 v6, v9;
	v0 =	vld.idx.msk [tilespmem:v48+s3+$0x0], $0xffff  }
0x87: {  	v7 =	vmul.bf16 v10, v7;
	v53 =	vunpack.i.u.bf16.f32 v2;
	v2 =	vunpack.i.l.bf16.f32 v2  }
0x88: {  	v2 =	vadd.f32 v2, v53;
	v54 =	vunpack.i.u.bf16.f32 v52;
	v5 =	vunpack.i.l.bf16.f32 v52  }
0x89: {  	v55 =	vunpack.i.u.bf16.f32 v7;
	v7 =	vunpack.i.l.bf16.f32 v7;
	v8 =	vmul.bf16 v8, v11  }
0x8a: {  	v5 =	vadd.f32 v5, v54;
	v56 =	vadd.f32 v7, v55;
	v57 =	vmul.bf16 v12, v13  }
0x8b: {  	v4 =	vmul.bf16 v49, v50;
	v0 =	vmul.bf16 v1, v0;
	v58 =	vunpack.i.u.bf16.f32 v8  }
0x8c: {  	v8 =	vunpack.i.l.bf16.f32 v8;
	v59 =	vunpack.i.u.bf16.f32 v57;
	v7 =	vunpack.i.l.bf16.f32 v57  }
0x8d: {  	v61 =	vunpack.i.u.bf16.f32 v4;
	v4 =	vunpack.i.l.bf16.f32 v4;
	v62 =	vunpack.i.u.bf16.f32 v0  }
0x8e: {  	v0 =	vunpack.i.l.bf16.f32 v0;
	v60 =	vadd.f32 v8, v58;
	v7 =	vadd.f32 v7, v59  }
0x8f: {  	v4 =	vadd.f32 v4, v61;
	v0 =	vadd.f32 v0, v62  }
0x90: {  	v2 =	vadd.f32 v2, v3;
	v63 =	vadd.f32 v56, v5  }
0x91: {  	v1 =	vadd.f32 v7, v60;
	v0 =	vadd.f32 v0, v4;
	_ =	sdelay $0x1  }
0x92: {  	p0 =	seq.s32 s0, $0x0;
	v2 =	vadd.f32 v63, v2;
	v0 =	vadd.f32 v0, v1  }
.Ltmp4:
0x93: {  	_ = 	snop;
	(pc) =	sbr.rel @p0 .LBB2_10-.Ltmp4, $4  }
0x94: {  	s1 =	sshll.u32 s6, $0x7;
	v0 =	vadd.f32 v0, v2  }
0x95: {  	s1 =	sand.u32 $0x3FFFFF80, s1  }
0x96: {  	s1 =	sadd.s32 s1, s8;
	[tilespmem:s2+$0x14880] =	vst v0  }
0x97: {  	[spmem:s1] =	stream.strided.scatter [tilespmem:s29], [sflag:$0x2], $0x800, s23, s22, $0x38;
	[tilespmem:$0x1B080] =	vst v63  }
.LBB2_7:
0x98: {  	p0 =	sgt.u32 s18, $0x26  }
0x99: {  	s0 =	smul.u32 @!p0 $0x7D0, s18;
	_ =	sdelay $0x1  }
0x9a: {  	_ =	swait.ge [sflag:s21], $0x7D0;
	s0 =	sadd.s32 @!p0 s0, s7  }
0x9b: {  	[sflag:s21] =	ssyncset.done $0x0;
	s1 =	simm.s32 @!p0 $0x0;
	s0 =	sshrl.u32 @!p0 s0, $0x3  }
0x9c: {  	s2 =	simm.s32 @!p0 $0x13880;
	[sflag:s21] =	ssyncadd.s32 $0xFFFFF830;
	s0 =	sadd.s32 @!p0 s4, s0  }
0x9d: {  	[tilespmem:s2], [sflag:$0x1] =	stream.linear.gather @!p0 [hbm4b:s0+s1], $0x7D0, $0x38;
	[tilespmem:$0x1B080] =	vst v63  }
0x9e: {  	p0 =	slt.u32 s6, $0x2  }
0x9f: {  	s0 =	simm.s32 @!p0 $0x2  }
0xa0: {  	_ =	swait.ge @!p0 [sflag:s0], $0x800  }
0xa1: {  	[sflag:s0] =	ssyncset.done @!p0 $0x0  }
0xa2: {  	[sflag:s0] =	ssyncadd.s32 @!p0 $0xFFFFF800;
	s0 =	simm.s32 $0x0  }
0xa3: {  	v0 =	vld [tilespmem:s0+$0x14080];
	_ =	sdelay $0x4  }
0xa4: {  	v1 =	vshrl.u32 v0, $0x10  }
0xa5: {  	v0 =	vand.u32 $0xFFFF, v0  }
0xa6: {  	v2 =	vadd.s32 $0x2710, v1  }
0xa7: {  	v5 =	vadd.s32 $0x2710, v0  }
0xa8: {  	v6 =	vadd.s32 $0x4E20, v1  }
0xa9: {  	v9 =	vadd.s32 $0x4E20, v0;
	v3 =	vld.idx.msk [tilespmem:v1+s3+$0x0], $0xffff  }
0xaa: {  	v10 =	vadd.s32 $0x7530, v1;
	v4 =	vld.idx.msk [tilespmem:v0+s3+$0x0], $0xffff  }
0xab: {  	v7 =	vadd.s32 $0x7530, v0;
	v2 =	vld.idx.msk [tilespmem:v2+s3+$0x0], $0xffff  }
0xac: {  	s1 =	simm.s32 $0x40;
	v8 =	vadd.s32 $0x9C40, v1;
	v5 =	vld.idx.msk [tilespmem:v5+s3+$0x0], $0xffff  }
.LBB2_8:
0xad: {  	p0 =	sne.s32 s1, $0x1F00;
	v6 =	vld.idx.msk [tilespmem:v6+s3+$0x0], $0xffff;
	v11 =	vadd.s32 $0x9C40, v0  }
0xae: {  	v12 =	vadd.s32 $0xC350, v1;
	v9 =	vld.idx.msk [tilespmem:v9+s3+$0x0], $0xffff  }
0xaf: {  	v13 =	vadd.s32 $0xC350, v0;
	v10 =	vld.idx.msk [tilespmem:v10+s3+$0x0], $0xffff  }
0xb0: {  	v14 =	vadd.s32 $0xEA60, v1;
	v7 =	vld.idx.msk [tilespmem:v7+s3+$0x0], $0xffff  }
0xb1: {  	v15 =	vadd.s32 $0xEA60, v0;
	v8 =	vld.idx.msk [tilespmem:v8+s3+$0x0], $0xffff  }
0xb2: {  	v1 =	vadd.s32 $0x11170, v1;
	v11 =	vld.idx.msk [tilespmem:v11+s3+$0x0], $0xffff  }
0xb3: {  	v0 =	vadd.s32 $0x11170, v0;
	v12 =	vld.idx.msk [tilespmem:v12+s3+$0x0], $0xffff  }
0xb4: {  	v13 =	vld.idx.msk [tilespmem:v13+s3+$0x0], $0xffff  }
0xb5: {  	v3 =	vmul.bf16 v3, v4;
	v4 =	vld.idx.msk [tilespmem:v14+s3+$0x0], $0xffff  }
0xb6: {  	v14 =	vld.idx.msk [tilespmem:v15+s3+$0x0], $0xffff  }
0xb7: {  	v2 =	vmul.bf16 v2, v5;
	v15 =	vunpack.i.u.bf16.f32 v3;
	v3 =	vunpack.i.l.bf16.f32 v3;
	v1 =	vld.idx.msk [tilespmem:v1+s3+$0x0], $0xffff  }
0xb8: {  	v5 =	vmul.bf16 v6, v9;
	v3 =	vadd.f32 v3, v15;
	v0 =	vld.idx.msk [tilespmem:v0+s3+$0x0], $0xffff  }
0xb9: {  	v6 =	vunpack.i.u.bf16.f32 v2;
	v2 =	vunpack.i.l.bf16.f32 v2;
	v7 =	vmul.bf16 v10, v7  }
0xba: {  	v2 =	vadd.f32 v2, v6;
	v6 =	vunpack.i.u.bf16.f32 v5;
	v5 =	vunpack.i.l.bf16.f32 v5  }
0xbb: {  	v9 =	vunpack.i.u.bf16.f32 v7;
	v7 =	vunpack.i.l.bf16.f32 v7;
	v8 =	vmul.bf16 v8, v11  }
0xbc: {  	v5 =	vadd.f32 v5, v6;
	v6 =	vadd.f32 v7, v9;
	v7 =	vmul.bf16 v12, v13  }
0xbd: {  	v9 =	vunpack.i.u.bf16.f32 v8;
	v8 =	vunpack.i.l.bf16.f32 v8;
	v4 =	vmul.bf16 v4, v14  }
0xbe: {  	v10 =	vunpack.i.u.bf16.f32 v7;
	v7 =	vunpack.i.l.bf16.f32 v7;
	v0 =	vmul.bf16 v1, v0  }
0xbf: {  	s2 =	sshra.s32 s1, $0x2;
	v7 =	vadd.f32 v7, v10;
	v1 =	vadd.f32 v8, v9;
	v8 =	vunpack.i.u.bf16.f32 v4  }
0xc0: {  	v4 =	vunpack.i.l.bf16.f32 v4;
	v10 =	vunpack.i.u.bf16.f32 v0;
	v0 =	vunpack.i.l.bf16.f32 v0;
	v9 =	vld [tilespmem:s2+$0x14080]  }
0xc1: {  	v4 =	vadd.f32 v4, v8;
	v0 =	vadd.f32 v0, v10  }
0xc2: {  	v2 =	vadd.f32 v2, v3;
	v3 =	vadd.f32 v6, v5  }
0xc3: {  	v5 =	vadd.f32 v7, v1;
	v0 =	vadd.f32 v0, v4;
	_ =	sdelay $0x1  }
0xc4: {  	v2 =	vadd.f32 v3, v2;
	v3 =	vadd.f32 v0, v5;
	v1 =	vshrl.u32 v9, $0x10  }
0xc5: {  	v0 =	vand.u32 $0xFFFF, v9  }
0xc6: {  	v5 =	vadd.s32 $0x2710, v1;
	v2 =	vadd.f32 v3, v2  }
0xc7: {  	v8 =	vadd.s32 $0x2710, v0  }
.Ltmp5:
0xc8: {  	v6 =	vadd.s32 $0x4E20, v1;
	[tilespmem:s0+$0x15080] =	vst v2;
	s0 =	smov.u32 s2;
	(pc) =	sbr.rel @p0 .LBB2_8-.Ltmp5, $4  }
0xc9: {  	v9 =	vadd.s32 $0x4E20, v0;
	v3 =	vld.idx.msk [tilespmem:v1+s3+$0x0], $0xffff  }
0xca: {  	v10 =	vadd.s32 $0x7530, v1;
	v4 =	vld.idx.msk [tilespmem:v0+s3+$0x0], $0xffff  }
0xcb: {  	v7 =	vadd.s32 $0x7530, v0;
	v2 =	vld.idx.msk [tilespmem:v5+s3+$0x0], $0xffff  }
0xcc: {  	s1 =	sadd.s32 $0x40, s1;
	v5 =	vld.idx.msk [tilespmem:v8+s3+$0x0], $0xffff;
	v8 =	vadd.s32 $0x9C40, v1  }
.Ltmp6:
0xcd: {  	_ = 	snop;
	(pc) =	sbr.rel .LBB2_9-.Ltmp6, $1  }
0xce: {  	_ =	sdelay $0x3  }
.LBB2_11:
0xcf: {  	_ =	swait.ge [sflag:s25], $0x800  }
0xd0: {  	[sflag:s25] =	ssyncset.done $0x0  }
0xd1: {  	[sflag:s25] =	ssyncadd.s32 $0xFFFFF800  }
0xd2: {  	_ =	swait.ge [sflag:s25], $0x800  }
0xd3: {  	[sflag:s25] =	ssyncset.done $0x0  }
0xd4: {  	[sflag:s25] =	ssyncadd.s32 $0xFFFFF800  }
0xd5: {  	[bflag:$0x0] =	sbarrier.arrive $0xFFFF  }
0xd6: {  	[tilespmem:s26], [sflag:$0x3] =	stream.strided.gather [spmem:s9], $0x800, s23, s22, $0x38;
	[tilespmem:$0x1B080] =	vst v63  }
0xd7: {  	s0 =	rddreg [dreg:$0x6]  }
0xd8: {  	[tilespmem:s28], [sflag:$0x3] =	stream.strided.gather [spmem:s0], $0x800, s23, s22, $0x38;
	[tilespmem:$0x1B080] =	vst v63  }
0xd9: {  	_ = 	snop  }
0xda: {  	[tilespmem:s29], [sflag:$0x4] =	stream.strided.gather [spmem:s11], $0x800, s23, s22, $0x38;
	[tilespmem:$0x1B080] =	vst v63  }
0xdb: {  	_ = 	snop  }
0xdc: {  	[tilespmem:s24], [sflag:$0x4] =	stream.strided.gather [spmem:s12], $0x800, s23, s22, $0x38;
	[tilespmem:$0x1B080] =	vst v63  }
0xdd: {  	_ =	swait.ge [sflag:s30], $0x800  }
0xde: {  	[sflag:s30] =	ssyncset.done $0x0  }
0xdf: {  	[sflag:s30] =	ssyncadd.s32 $0xFFFFF800  }
0xe0: {  	_ =	swait.ge [sflag:s30], $0x800  }
0xe1: {  	[sflag:s30] =	ssyncset.done $0x0  }
0xe2: {  	s0 =	simm.s32 $0x0;
	[sflag:s30] =	ssyncadd.s32 $0xFFFFF800  }
0xe3: {  	v0 =	vld [tilespmem:s0+$0x15880]  }
0xe4: {  	s1 =	simm.s32 $0x40;
	v1 =	vld [tilespmem:s0+$0x16080]  }
.LBB2_12:
0xe5: {  	_ = 	snop  }
0xe6: {  	p0 =	sne.s32 s1, $0x1F00  }
.Ltmp7:
0xe7: {  	_ = 	snop;
	(pc) =	sbr.rel @p0 .LBB2_12-.Ltmp7, $4  }
0xe8: {  	_ = 	snop  }
0xe9: {  	s2 =	sshra.s32 s1, $0x2;
	v2 =	vadd.f32 v1, v0  }
0xea: {  	v0 =	vld [tilespmem:s2+$0x15880]  }
0xeb: {  	s1 =	sadd.s32 $0x40, s1;
	v1 =	vld [tilespmem:s2+$0x16080];
	[tilespmem:s0+$0x16880] =	vst v2;
	s0 =	smov.u32 s2  }
0xec: {  	_ =	sdelay $0x3  }
0xed: {  	v0 =	vadd.f32 v1, v0;
	_ =	sdelay $0x1  }
0xee: {  	[tilespmem:s0+$0x16880] =	vst v0  }
0xef: {  	[tilespmem:s26], [sflag:$0x3] =	stream.strided.gather [spmem:s13], $0x800, s23, s22, $0x38;
	[tilespmem:$0x1B080] =	vst v63  }
0xf0: {  	_ = 	snop  }
0xf1: {  	[tilespmem:s28], [sflag:$0x3] =	stream.strided.gather [spmem:s14], $0x800, s23, s22, $0x38;
	[tilespmem:$0x1B080] =	vst v63  }
0xf2: {  	_ =	swait.ge [sflag:s31], $0x800  }
0xf3: {  	[sflag:s31] =	ssyncset.done $0x0  }
0xf4: {  	[sflag:s31] =	ssyncadd.s32 $0xFFFFF800  }
0xf5: {  	_ =	swait.ge [sflag:s31], $0x800  }
0xf6: {  	[sflag:s31] =	ssyncset.done $0x0  }
0xf7: {  	s0 =	simm.s32 $0x0;
	[sflag:s31] =	ssyncadd.s32 $0xFFFFF800  }
0xf8: {  	v0 =	vld [tilespmem:s0+$0x14880]  }
0xf9: {  	v1 =	vld [tilespmem:s0+$0x15080];
	_ =	sdelay $0x1  }
0xfa: {  	v2 =	vld [tilespmem:s0+$0x16880];
	_ =	sdelay $0x2  }
0xfb: {  	v1 =	vadd.f32 v1, v0  }
0xfc: {  	s1 =	simm.s32 $0x10  }
0xfd: {  	s2 =	simm.s32 $0x80;
	v0 =	vld [tilespmem:s1+$0x14880];
	v1 =	vadd.f32 v2, v1  }
.LBB2_14:
0xfe: {  	p0 =	sne.s32 s2, $0x1F00;
	v2 =	vld [tilespmem:s1+$0x15080]  }
0xff: {  	[tilespmem:s0+$0x16880] =	vst v1;
	s0 =	smov.u32 s1  }
0x100: {  	v1 =	vld [tilespmem:s0+$0x16880]  }
.Ltmp8:
0x101: {  	(pc) =	sbr.rel @p0 .LBB2_14-.Ltmp8, $4  }
0x102: {  	_ = 	snop  }
0x103: {  	v2 =	vadd.f32 v2, v0  }
0x104: {  	s1 =	sshra.s32 s2, $0x2  }
0x105: {  	s2 =	sadd.s32 $0x40, s2;
	v0 =	vld [tilespmem:s1+$0x14880];
	v1 =	vadd.f32 v1, v2  }
0x106: {  	v2 =	vld [tilespmem:s1+$0x15080]  }
0x107: {  	[tilespmem:s0+$0x16880] =	vst v1  }
0x108: {  	v1 =	vld [tilespmem:s1+$0x16880];
	_ =	sdelay $0x2  }
0x109: {  	v0 =	vadd.f32 v2, v0;
	_ =	sdelay $0x1  }
0x10a: {  	v0 =	vadd.f32 v1, v0;
	_ =	sdelay $0x1  }
0x10b: {  	[tilespmem:s1+$0x16880] =	vst v0  }
0x10c: {  	[tilespmem:s29], [sflag:$0x4] =	stream.strided.gather [spmem:s15], $0x800, s23, s22, $0x38;
	[tilespmem:$0x1B080] =	vst v63  }
0x10d: {  	_ = 	snop  }
0x10e: {  	[tilespmem:s24], [sflag:$0x4] =	stream.strided.gather [spmem:s16], $0x800, s23, s22, $0x38;
	[tilespmem:$0x1B080] =	vst v63  }
0x10f: {  	_ =	swait.ge [sflag:s30], $0x800  }
0x110: {  	[sflag:s30] =	ssyncset.done $0x0  }
0x111: {  	[sflag:s30] =	ssyncadd.s32 $0xFFFFF800  }
0x112: {  	_ =	swait.ge [sflag:s30], $0x800  }
0x113: {  	[sflag:s30] =	ssyncset.done $0x0  }
0x114: {  	s0 =	simm.s32 $0x0;
	[sflag:s30] =	ssyncadd.s32 $0xFFFFF800  }
0x115: {  	v0 =	vld [tilespmem:s0+$0x15880]  }
0x116: {  	v1 =	vld [tilespmem:s0+$0x16080];
	_ =	sdelay $0x1  }
0x117: {  	v2 =	vld [tilespmem:s0+$0x16880];
	_ =	sdelay $0x2  }
0x118: {  	v1 =	vadd.f32 v1, v0  }
0x119: {  	s1 =	simm.s32 $0x10  }
0x11a: {  	s2 =	simm.s32 $0x80;
	v0 =	vld [tilespmem:s1+$0x15880];
	v1 =	vadd.f32 v2, v1  }
.LBB2_16:
0x11b: {  	p0 =	sne.s32 s2, $0x1F00;
	v2 =	vld [tilespmem:s1+$0x16080]  }
0x11c: {  	[tilespmem:s0+$0x16880] =	vst v1;
	s0 =	smov.u32 s1  }
0x11d: {  	v1 =	vld [tilespmem:s0+$0x16880]  }
.Ltmp9:
0x11e: {  	(pc) =	sbr.rel @p0 .LBB2_16-.Ltmp9, $4  }
0x11f: {  	_ = 	snop  }
0x120: {  	v2 =	vadd.f32 v2, v0  }
0x121: {  	s1 =	sshra.s32 s2, $0x2  }
0x122: {  	s2 =	sadd.s32 $0x40, s2;
	v0 =	vld [tilespmem:s1+$0x15880];
	v1 =	vadd.f32 v1, v2  }
0x123: {  	v2 =	vld [tilespmem:s1+$0x16080]  }
0x124: {  	[tilespmem:s0+$0x16880] =	vst v1  }
0x125: {  	v1 =	vld [tilespmem:s1+$0x16880];
	_ =	sdelay $0x2  }
0x126: {  	v0 =	vadd.f32 v2, v0;
	_ =	sdelay $0x1  }
0x127: {  	v0 =	vadd.f32 v1, v0;
	_ =	sdelay $0x1  }
0x128: {  	[tilespmem:s1+$0x16880] =	vst v0  }
0x129: {  	_ =	swait.ge [sflag:s31], $0x800  }
0x12a: {  	[sflag:s31] =	ssyncset.done $0x0  }
0x12b: {  	[sflag:s31] =	ssyncadd.s32 $0xFFFFF800  }
0x12c: {  	_ =	swait.ge [sflag:s31], $0x800  }
0x12d: {  	[sflag:s31] =	ssyncset.done $0x0  }
0x12e: {  	s0 =	simm.s32 $0x0;
	[sflag:s31] =	ssyncadd.s32 $0xFFFFF800  }
0x12f: {  	v0 =	vld [tilespmem:s0+$0x14880]  }
0x130: {  	v1 =	vld [tilespmem:s0+$0x15080];
	_ =	sdelay $0x1  }
0x131: {  	v2 =	vld [tilespmem:s0+$0x16880];
	_ =	sdelay $0x2  }
0x132: {  	v1 =	vadd.f32 v1, v0  }
0x133: {  	s2 =	simm.s32 $0x10  }
0x134: {  	s5 =	simm.s32 $0x80;
	s6 =	simm.s32 $0x0;
	s1 =	simm.s32 $0x40;
	v0 =	vld [tilespmem:s2+$0x14880];
	v1 =	vadd.f32 v2, v1  }
.LBB2_18:
0x135: {  	p0 =	sne.s32 s5, $0x1F00;
	v2 =	vld [tilespmem:s2+$0x15080]  }
0x136: {  	[tilespmem:s6+$0x16880] =	vst v1;
	s6 =	smov.u32 s2  }
0x137: {  	v1 =	vld [tilespmem:s6+$0x16880]  }
.Ltmp10:
0x138: {  	(pc) =	sbr.rel @p0 .LBB2_18-.Ltmp10, $4  }
0x139: {  	_ = 	snop  }
0x13a: {  	v2 =	vadd.f32 v2, v0  }
0x13b: {  	s2 =	sshra.s32 s5, $0x2  }
0x13c: {  	s5 =	sadd.s32 $0x40, s5;
	v0 =	vld [tilespmem:s2+$0x14880];
	v1 =	vadd.f32 v1, v2  }
0x13d: {  	v2 =	vld [tilespmem:s2+$0x15080]  }
0x13e: {  	[tilespmem:s6+$0x16880] =	vst v1  }
0x13f: {  	v1 =	vld [tilespmem:s2+$0x16880];
	_ =	sdelay $0x2  }
0x140: {  	v0 =	vadd.f32 v2, v0;
	_ =	sdelay $0x1  }
0x141: {  	v0 =	vadd.f32 v1, v0;
	_ =	sdelay $0x1  }
0x142: {  	[tilespmem:s2+$0x16880] =	vst v0  }
.LBB2_20:
0x143: {  	p0 =	sne.s32 s1, $0x1F00;
	v0 =	vld [tilespmem:s0+$0x16880];
	_ =	sdelay $0x4  }
0x144: {  	v0 =	vsub.f32 $0.0e+00, v0;
	_ =	sdelay $0x1  }
0x145: {  	v0 =	vmul.f32 $1.442695020e+00, v0;
	_ =	sdelay $0x1  }
0x146: {  	(erf) = vpow2.f32 v0;
	_ =	sdelay $0x8  }
0x147: {  	v0 =	vpop (erf)  }
0x148: {  	v0 =	vadd.f32 $1.000000000e+00, v0;
	_ =	sdelay $0x1  }
0x149: {  	(erf) = vrcp.f32 v0;
	_ =	sdelay $0x5  }
.Ltmp11:
0x14a: {  	(pc) =	sbr.rel @p0 .LBB2_20-.Ltmp11, $3  }
0x14b: {  	_ =	sdelay $0x1  }
0x14c: {  	v0 =	vpop (erf)  }
0x14d: {  	[tilespmem:s0+$0x16880] =	vst v0;
	s0 =	sshra.s32 s1, $0x2;
	s1 =	sadd.s32 $0x40, s1  }
0x14e: {  	v0 =	vld [tilespmem:s0+$0x16880];
	_ =	sdelay $0x4  }
0x14f: {  	v0 =	vsub.f32 $0.0e+00, v0;
	_ =	sdelay $0x1  }
0x150: {  	v0 =	vmul.f32 $1.442695020e+00, v0;
	_ =	sdelay $0x1  }
0x151: {  	(erf) = vpow2.f32 v0;
	_ =	sdelay $0x8  }
0x152: {  	v0 =	vpop (erf)  }
0x153: {  	v0 =	vadd.f32 $1.000000000e+00, v0;
	_ =	sdelay $0x1  }
0x154: {  	(erf) = vrcp.f32 v0;
	_ =	sdelay $0x5  }
0x155: {  	s1 =	smul.u32 $0x3E80, s20;
	_ =	sdelay $0x1  }
0x156: {  	s1 =	sadd.s32 s1, s17  }
0x157: {  	s10 =	rddreg [dreg:$0x1];
	s20 =	sadd.s32 $0x1, s20;
	s1 =	sshrl.u32 s1, $0x3;
	v0 =	vpop (erf)  }
0x158: {  	s18 =	simm.s32 $0x16880;
	p0 =	sne.s32 s20, $0x5;
	[tilespmem:s0+$0x16880] =	vst v0;
	s0 =	sadd.s32 s10, s1  }
0x159: {  	[hbm4b:s0+s3] =	stream.linear.scatter [tilespmem:s18], [sflag:$0x5], $0x7D0, $0x38;
	[tilespmem:$0x1B080] =	vst v63  }
.Ltmp12:
0x15a: {  	_ =	swait.ge [sflag:s19], $0x7D0;
	(pc) =	sbr.rel @p0 .LBB2_2-.Ltmp12, $3  }
0x15b: {  	[sflag:s19] =	ssyncset.done $0x0  }
0x15c: {  	[sflag:s19] =	ssyncadd.s32 $0xFFFFF830  }
0x15d: {  	[bflag:$0x0] =	sbarrier.arrive $0xFFFF;
	_ =	sdelay $0x1  }
0x15e: {  	s1 =	rddreg [dreg:$0x8]  }
0x15f: {  	s0 =	rddreg [dreg:$0x7];
	s1 =	sadd.s32 $0x1, s1  }
0x160: {  	p0 =	sne.s32 s1, s0  }
.Ltmp13:
0x161: {  	_ = 	snop;
	(pc) =	sbr.rel @p0 .LBB2_1-.Ltmp13, $1  }
0x162: {  	_ =	sdelay $0x3  }
0x163: {  	_ =	sfence.sel $0x180000  }
0x164: {  	[bflag:$0x0] =	sbarrier.arrive $0xFFFF  }
0x165: {  	_ =	strace $0x90000047  }
0x166: {  	s0 =	stileid.u32;
	[bflag:$0x2] =	sbarrier.arrive $0xFFFF  }
0x167: {  	p0 =	sne.s32 s0, $0x0;
	s0 =	rddreg [dreg:$0x3]  }
0x168: {  	s0 =	sadd.s32 @!p0 $0x100000, s0  }
0x169: {  	[sflag:s0] =	ssyncadd.tile.s32 @!p0 $0x1;
	_ =	shalt  }
.Lfunc_end2:
_tile_overlayer_lowered:
.L_overlay_start_2:
0x16a: {  	(tag) =	ssettag $0x2  }
0x16b: {  	s0 =	rddreg [dreg:$0x0];
	s2 =	stileid.u32  }
0x16c: {  	s1 =	rddreg [dreg:$0x1];
	p0 =	sne.s32 s2, $0x0  }
0x16d: {  	s3 =	rddreg [dreg:$0x2];
	[bflag:$0x3] =	sbarrier.arrive $0xFFFF;
	s2 =	simm.s32 @!p0 $0x1C05  }
0x16e: {  	[timem:s3], [sflag:s2] =	dma.local @!p0 [hbm:s0], s1  }
0x16f: {  	s0 =	simm.s32 @!p0 $0x5  }
0x170: {  	_ =	swait.ge @!p0 [sflag:s0], s1  }
0x171: {  	s1 =	ssub.s32 @!p0 $0x0, s1;
	[sflag:s0] =	ssyncset.done @!p0 $0x0  }
0x172: {  	[sflag:s0] =	ssyncadd.s32 @!p0 s1  }
0x173: {  	[bflag:$0x3] =	sbarrier.arrive $0xFFFF  }
0x174: {  	_ =	shalt  }

</sc_bundles>
